<compile_context>
chip_gen: v7x
topology: tpu7x:2x2x1
jax: 0.10.2.dev20260603
libtpu: 0.0.44.dev20260713+nightly
codegen_flags: <defaults>
</compile_context>

<pallas_src>
import functools

import jax
import jax.numpy as jnp
from jax import lax
from jax.experimental import pallas as pl
from jax.experimental.pallas import tpu as pltpu
from jax.experimental.pallas import tpu_sc as plsc

N = 10000
E = 320000
D = 128
CLS_DIM = 128
NUM_CLS = 1000

NC = 2
NS = 16
NW = NC * NS
EPW = E // NW
ECHUNK = 128
EROWS = 2560
RPW = EROWS // NW
HCHUNK = 2000
NPAD = 10240
_HIST_G = 1280
RPTP = NPAD // NS

_sc_mesh = plsc.VectorSubcoreMesh(
    core_axis_name="c", subcore_axis_name="s", num_cores=NC, num_subcores=NS)


@functools.partial(
    pl.kernel,
    out_type=jax.ShapeDtypeStruct((NPAD // _HIST_G, NW, _HIST_G), jnp.float32),
    mesh=_sc_mesh,
    scratch_types=[
        pltpu.VMEM((NPAD,), jnp.float32),
        pltpu.VMEM((HCHUNK,), jnp.int32),
    ],
    compiler_params=pltpu.CompilerParams(needs_layout_passes=False),
)
def _hist_kernel(ei_hbm, hist_out, hist_v, idx_v):
    c = lax.axis_index("c")
    s = lax.axis_index("s")
    wid = c * NS + s

    def zbody(j, _):
        hist_v[pl.ds(j * 16, 16)] = jnp.zeros((16,), jnp.float32)
        return 0

    lax.fori_loop(0, NPAD // 16, zbody, 0)

    ones = jnp.ones((16,), jnp.float32)

    def chunk_body(i, _):
        pltpu.sync_copy(ei_hbm.at[pl.ds(E + wid * EPW + i * HCHUNK, HCHUNK)], idx_v)

        def inner(j, _):
            idx = idx_v[pl.ds(j * 16, 16)]
            plsc.addupdate_scatter(hist_v, [idx], ones)
            return 0

        lax.fori_loop(0, HCHUNK // 16, inner, 0)
        return 0

    lax.fori_loop(0, EPW // HCHUNK, chunk_body, 0)
    for g in range(NPAD // _HIST_G):
        pltpu.sync_copy(hist_v.at[pl.ds(g * _HIST_G, _HIST_G)],
                        hist_out.at[g, wid])


_ATAN_COEF = (
    0.9999999997078624, -0.33333325677909525, 0.19999666967905463,
    -0.14280017502794023, 0.11060457389637045, -0.08822392769760169,
    0.06772865569989875, -0.04519816824222727, 0.02302416556181928,
    -0.007568498443339108, 0.0011681262903039157,
)


def _prep_body(xe_ref, xh_ref, xs_ref, w_ref, hist_ref, hs_ref, dinv_ref):
    xe = xe_ref[...]
    xh = xh_ref[...]
    xs = xs_ref[...]

    nh = jnp.sqrt(jnp.sum(xh * xh, axis=1, keepdims=True))
    nhc = jnp.clip(nh, 1e-8, 1.0 - 1e-5)
    ath = 0.5 * jnp.log((1.0 + nhc) / (1.0 - nhc))
    xh = ath * xh / jnp.maximum(nh, 1e-8)

    nsr = jnp.sqrt(jnp.sum(xs * xs, axis=1, keepdims=True))
    nsc = jnp.maximum(nsr, 1e-8)
    t = jnp.minimum(nsc, 1.0 / nsc)
    u = t * t
    p = _ATAN_COEF[-1]
    for coef in _ATAN_COEF[-2::-1]:
        p = p * u + coef
    p = p * t
    atn = jnp.where(nsc <= 1.0, p, (jnp.pi / 2) - p)
    xs = atn * xs / nsc

    w = w_ref[...]
    h = jnp.dot(xe, w[0:D], preferred_element_type=jnp.float32)
    h += jnp.dot(xh, w[D:2 * D], preferred_element_type=jnp.float32)
    h += jnp.dot(xs, w[2 * D:3 * D], preferred_element_type=jnp.float32)

    deg = jnp.sum(hist_ref[0], axis=0, keepdims=True) + 1.0
    dinv = lax.rsqrt(deg)
    hs_ref[...] = h * dinv.T
    dinv_ref[...] = dinv.T


_PREP_R = 1280


def _tc_prep(x_E, x_H, x_S, W, hist):
    return pl.pallas_call(
        _prep_body,
        grid=(pl.cdiv(N, _PREP_R),),
        in_specs=[
            pl.BlockSpec((_PREP_R, D), lambda i: (i, 0)),
            pl.BlockSpec((_PREP_R, D), lambda i: (i, 0)),
            pl.BlockSpec((_PREP_R, D), lambda i: (i, 0)),
            pl.BlockSpec((3 * D, CLS_DIM), lambda i: (0, 0)),
            pl.BlockSpec((1, NW, _HIST_G), lambda i: (i, 0, 0)),
        ],
        out_specs=[
            pl.BlockSpec((_PREP_R, CLS_DIM), lambda i: (i, 0)),
            pl.BlockSpec((_PREP_R, 1), lambda i: (i, 0)),
        ],
        out_shape=[
            jax.ShapeDtypeStruct((NPAD, CLS_DIM), jnp.float32),
            jax.ShapeDtypeStruct((N, 1), jnp.float32),
        ],
    )(x_E, x_H, x_S, W, hist)


CHUNK = 80
BIGC = 2000


@functools.partial(
    pl.kernel,
    out_type=jax.ShapeDtypeStruct((NC, NPAD, CLS_DIM), jnp.float32),
    mesh=_sc_mesh,
    scratch_types=[
        pltpu.VMEM_SHARED((NPAD, CLS_DIM), jnp.float32),
        pltpu.VMEM((BIGC,), jnp.int32),
        pltpu.VMEM((BIGC,), jnp.int32),
        pltpu.VMEM((CHUNK,), jnp.int32),
        pltpu.VMEM((3, CHUNK, CLS_DIM), jnp.float32),
        pltpu.SemaphoreType.DMA,
        pltpu.SemaphoreType.DMA,
    ],
)
def _scatter_kernel(hs_hbm, ei_hbm, s_out,
                    acc, srcbig, dstbig, dst_v, rows_v, gsem, ssem):
    c = lax.axis_index("c")
    s = lax.axis_index("s")
    wid = c * NS + s
    rbase = s * RPTP

    pltpu.sync_copy(hs_hbm.at[pl.ds(rbase, RPTP)], acc.at[pl.ds(rbase, RPTP)])
    plsc.subcore_barrier()

    ebase = wid * EPW
    NCH = BIGC // CHUNK

    def _gdrain(slot):
        pltpu.make_async_copy(hs_hbm.at[pl.ds(0, CHUNK)],
                              rows_v.at[slot], gsem).wait()

    def _sdrain(slot):
        pltpu.make_async_copy(rows_v.at[slot],
                              acc.at[pl.ds(0, CHUNK)], ssem).wait()

    def _gath(k, slot):
        pltpu.async_copy(hs_hbm.at[srcbig.at[pl.ds(k * CHUNK, CHUNK)]],
                         rows_v.at[slot], gsem)

    def _scat(k, slot):
        for v in range(CHUNK // 16):
            dst_v[pl.ds(v * 16, 16)] = dstbig[pl.ds(k * CHUNK + v * 16, 16)]
        pltpu.async_copy(rows_v.at[slot], acc.at[dst_v], ssem, add=True)

    def big_body(bi, _):
        bb = ebase + bi * BIGC
        pltpu.sync_copy(ei_hbm.at[pl.ds(bb, BIGC)], srcbig)
        pltpu.sync_copy(ei_hbm.at[pl.ds(E + bb, BIGC)], dstbig)
        _gath(0, 0)
        _gath(1, 1)

        def tri(t, _):
            for off in range(3):
                j = 3 * t + off
                sp = (off - 1) % 3
                sn = (off + 2) % 3

                @pl.when(j >= 1)
                def _():
                    _sdrain(sp)

                @pl.when(j + 2 < NCH)
                def _():
                    _gath(j + 2, sn)

                _gdrain(off)
                _scat(j, off)
            return 0

        lax.fori_loop(0, NCH // 3, tri, 0)
        _sdrain(2)
        _gdrain(0)
        _scat(NCH - 1, 0)
        _sdrain(0)
        return 0

    lax.fori_loop(0, EPW // BIGC, big_body, 0)
    plsc.subcore_barrier()
    pltpu.sync_copy(acc.at[pl.ds(rbase, RPTP)], s_out.at[c, pl.ds(rbase, RPTP)])


def _out_body(s_ref, hs_ref, dinv_ref, b_ref, cls_ref, out_ref):
    y = (s_ref[0] + s_ref[1] - hs_ref[...]) * dinv_ref[...] + b_ref[...]
    yn = jnp.sqrt(jnp.sum(y * y, axis=1, keepdims=True))
    y = y / jnp.maximum(yn, 1e-8)
    cemb = cls_ref[...]
    cn = jnp.sqrt(jnp.sum(cemb * cemb, axis=1, keepdims=True))
    cemb = cemb / jnp.maximum(cn, 1e-8)
    out_ref[...] = lax.dot_general(
        y, cemb, (((1,), (1,)), ((), ())),
        preferred_element_type=jnp.float32)


_OUT_R = 1000


def _tc_out(s_part, hs, dinv, b2, cls_embeddings):
    return pl.pallas_call(
        _out_body,
        grid=(N // _OUT_R,),
        in_specs=[
            pl.BlockSpec((NC, _OUT_R, CLS_DIM), lambda i: (0, i, 0)),
            pl.BlockSpec((_OUT_R, CLS_DIM), lambda i: (i, 0)),
            pl.BlockSpec((_OUT_R, 1), lambda i: (i, 0)),
            pl.BlockSpec((1, CLS_DIM), lambda i: (0, 0)),
            pl.BlockSpec((NUM_CLS, CLS_DIM), lambda i: (0, 0)),
        ],
        out_specs=pl.BlockSpec((_OUT_R, NUM_CLS), lambda i: (i, 0)),
        out_shape=jax.ShapeDtypeStruct((N, NUM_CLS), jnp.float32),
    )(s_part, hs, dinv, b2, cls_embeddings)


def kernel(x_E, x_H, x_S, edge_index, W, b, cls_embeddings):
    ei = edge_index.reshape(2 * E)
    hist = _hist_kernel(ei)
    hs, dinv = _tc_prep(x_E, x_H, x_S, W, hist)
    s_part = _scatter_kernel(hs, ei)
    return _tc_out(s_part, hs, dinv, b.reshape(1, CLS_DIM), cls_embeddings)

# --- scband reference (transcript-rebuilt; emitter-appended) ---
"""Pipeline reference for scband-shot-nchead-63591285785127 (READ-ONLY COPY).

The authoritative reference and input builder live on the scoring server;
editing this copy changes nothing except your own understanding.
"""

import jax, jax.numpy as jnp
import numpy as np

N = 10000
E = 320000
D = 128
IN_DIM = 3 * D
CLS_DIM = 128
NUM_CLS = 1000


def setup_inputs(seed: int = 0) -> dict:
    key = jax.random.key(seed)
    ks = jax.random.split(key, 8)
    x_E = jax.random.normal(ks[0], (N, D), dtype=jnp.float32)
    # hyperbolic-stream output: keep strictly inside the unit Poincare ball
    x_H = jax.random.uniform(ks[1], (N, D), dtype=jnp.float32) - 0.5
    x_H = 0.7 * x_H / (1.0 + jnp.linalg.norm(x_H, axis=-1, keepdims=True))
    # spherical-stream output (stereographic coordinates)
    x_S = jax.random.uniform(ks[2], (N, D), dtype=jnp.float32) - 0.5
    edge_index = jax.random.randint(ks[3], (2, E), 0, N, dtype=jnp.int32)
    W = jax.random.normal(ks[4], (IN_DIM, CLS_DIM), dtype=jnp.float32) / np.sqrt(IN_DIM)
    b = jnp.zeros((CLS_DIM,), dtype=jnp.float32)
    cls_embeddings = jax.random.normal(ks[5], (NUM_CLS, CLS_DIM), dtype=jnp.float32)
    return {"x_E": x_E, "x_H": x_H, "x_S": x_S, "edge_index": edge_index,
            "W": W, "b": b, "cls_embeddings": cls_embeddings}


def _logmap0_hyperbolic(y):
    # Poincare ball (curvature -1): logmap0(y) = artanh(||y||) * y / ||y||
    nrm = jnp.linalg.norm(y, axis=-1, keepdims=True)
    nrm_c = jnp.clip(nrm, 1e-8, 1.0 - 1e-5)
    return jnp.arctanh(nrm_c) * y / jnp.maximum(nrm, 1e-8)


def _logmap0_spherical(y):
    # stereographic sphere (curvature +1): logmap0(y) = arctan(||y||) * y / ||y||
    nrm = jnp.linalg.norm(y, axis=-1, keepdims=True)
    return jnp.arctan(jnp.maximum(nrm, 1e-8)) * y / jnp.maximum(nrm, 1e-8)


def _gcn_conv(x, edge_index, W, b, n_nodes):
    # PyG GCNConv: linear transform, then symmetric-normalized aggregation with self loops
    h = x @ W
    src = edge_index[0]
    dst = edge_index[1]
    loop = jnp.arange(n_nodes, dtype=src.dtype)
    src2 = jnp.concatenate([src, loop])
    dst2 = jnp.concatenate([dst, loop])
    ones = jnp.ones(src2.shape[0], dtype=h.dtype)
    deg = jax.ops.segment_sum(ones, dst2, num_segments=n_nodes)
    dinv = jnp.where(deg > 0, 1.0 / jnp.sqrt(deg), 0.0)
    norm = dinv[src2] * dinv[dst2]
    msg = h[src2] * norm[:, None]
    agg = jax.ops.segment_sum(msg, dst2, num_segments=n_nodes)
    return agg + b


def reference(x_E, x_H, x_S, edge_index, W, b, cls_embeddings):
    x_h = _logmap0_hyperbolic(x_H)
    x_s = _logmap0_spherical(x_S)
    x = jnp.concatenate([x_E, x_h, x_s], axis=-1)
    x = _gcn_conv(x, edge_index, W, b, N)
    xn = x / jnp.maximum(jnp.linalg.norm(x, axis=-1, keepdims=True), 1e-8)
    cn = cls_embeddings / jnp.maximum(jnp.linalg.norm(cls_embeddings, axis=-1, keepdims=True), 1e-8)
    out = xn @ cn.T
    return out

if __name__ == "__main__":
    import jax
    _d = setup_inputs()
    print(jax.jit(kernel)(*tuple(_d.values())))

</pallas_src>

<mosaic_0001>
#map = affine_map<(d0, d1) -> (0, 0)>
#map1 = affine_map<(d0, d1) -> (0)>
#map2 = affine_map<(d0, d1) -> (0, 0, 0)>
module attributes {stable_mosaic.version = 14 : i64} {
  func.func @_scatter_kernel(%arg0: i32, %arg1: i32, %arg2: memref<10240x128xf32, #tpu.memory_space<hbm>>, %arg3: memref<640000xi32, #tpu.memory_space<hbm>>, %arg4: memref<2x10240x128xf32, #tpu.memory_space<hbm>>, %arg5: memref<10240x128xf32, #tpu.memory_space<vmem_shared>>, %arg6: memref<2000xi32, #tpu.memory_space<vmem>>, %arg7: memref<2000xi32, #tpu.memory_space<vmem>>, %arg8: memref<80xi32, #tpu.memory_space<vmem>>, %arg9: memref<3x80x128xf32, #tpu.memory_space<vmem>>, %arg10: memref<!tpu.dma_semaphore, #tpu.memory_space<semaphore_mem>>, %arg11: memref<!tpu.dma_semaphore, #tpu.memory_space<semaphore_mem>>) attributes {dimension_semantics = [#tpu.dimension_semantics<core_parallel>, #tpu.dimension_semantics<subcore_parallel>], iteration_bounds = array<i64: 2, 16>, scalar_prefetch = 0 : i64, scratch_operands = 7 : i64, tpu.core_type = #tpu.core_type<sc_vector_subcore>, window_params = [{transform_indices = #map}, {transform_indices = #map1}, {transform_indices = #map2}]} {
    %mul3A = arith.constant 16 : i32
    %mul3A_0 = arith.muli %arg0, %mul3A : i32
    %add3A = arith.addi %mul3A_0, %arg1 : i32
    %mul3A_1 = arith.constant 640 : i32
    %mul3A_2 = arith.muli %arg1, %mul3A_1 : i32
    "tpu.region"() ({
      %run_scoped3A = tpu.sem_alloc : memref<!tpu.dma_semaphore, #tpu.memory_space<semaphore_mem>>
      %dma_start3A = arith.constant 0 : i32
      %dma_start3A_12 = tpu.memref_slice %arg5[%mul3A_2, %dma_start3A] : memref<10240x128xf32, #tpu.memory_space<vmem_shared>> -> memref<640x128xf32, #tpu.memory_space<vmem_shared>>
      %dma_start3A_13 = arith.constant 0 : i32
      %dma_start3A_14 = tpu.memref_slice %arg2[%mul3A_2, %dma_start3A_13] : memref<10240x128xf32, #tpu.memory_space<hbm>> -> memref<640x128xf32, #tpu.memory_space<hbm>>
      tpu.enqueue_dma source(%dma_start3A_14 : memref<640x128xf32, #tpu.memory_space<hbm>>) target(%dma_start3A_12 : memref<640x128xf32, #tpu.memory_space<vmem_shared>>) target_semaphore(%run_scoped3A : memref<!tpu.dma_semaphore, #tpu.memory_space<semaphore_mem>>)
      %dma_wait3A = arith.constant 0 : i32
      %dma_wait3A_15 = tpu.memref_slice %arg5[%mul3A_2, %dma_wait3A] : memref<10240x128xf32, #tpu.memory_space<vmem_shared>> -> memref<640x128xf32, #tpu.memory_space<vmem_shared>>
      %dma_wait3A_16 = arith.constant 0 : i32
      %dma_wait3A_17 = tpu.memref_slice %arg2[%mul3A_2, %dma_wait3A_16] : memref<10240x128xf32, #tpu.memory_space<hbm>> -> memref<640x128xf32, #tpu.memory_space<hbm>>
      tpu.wait_dma2 semaphore(%run_scoped3A : memref<!tpu.dma_semaphore, #tpu.memory_space<semaphore_mem>>) src(%dma_wait3A_17 : memref<640x128xf32, #tpu.memory_space<hbm>>) dst(%dma_wait3A_15 : memref<640x128xf32, #tpu.memory_space<vmem_shared>>)
      tpu.yield
    }) : () -> ()
    %barrier3A = arith.constant 0 : index
    tpu.barrier barrier_id(%barrier3A)
    %mul3A_3 = arith.constant 10000 : i32
    %mul3A_4 = arith.muli %add3A, %mul3A_3 : i32
    %scan3A = arith.constant 0 : i32
    %scan3A_5 = arith.constant 0 : i32
    %scan3A_6 = arith.constant 5 : i32
    %scan3A_7 = arith.addi %scan3A_5, %scan3A_6 : i32
    %scan3A_8 = arith.constant 1 : i32
    %scan3A_9 = scf.for %scan3A_12 = %scan3A_5 to %scan3A_7 step %scan3A_8 iter_args(%scan3A_13 = %scan3A) -> (i32)  : i32 {
      %mul3A_14 = arith.constant 2000 : i32
      %mul3A_15 = arith.muli %scan3A_12, %mul3A_14 : i32
      %add3A_16 = arith.addi %mul3A_4, %mul3A_15 : i32
      "tpu.region"() ({
        %run_scoped3A = tpu.sem_alloc : memref<!tpu.dma_semaphore, #tpu.memory_space<semaphore_mem>>
        %dma_start3A_131 = tpu.memref_slice %arg3[%add3A_16] : memref<640000xi32, #tpu.memory_space<hbm>> -> memref<2000xi32, #tpu.memory_space<hbm>>
        %dma_start3A_132 = tpu.memref_slice %arg3[%add3A_16] : memref<640000xi32, #tpu.memory_space<hbm>> -> memref<2000xi32, #tpu.memory_space<hbm>>
        tpu.enqueue_dma source(%dma_start3A_132 : memref<2000xi32, #tpu.memory_space<hbm>>) target(%arg6 : memref<2000xi32, #tpu.memory_space<vmem>>) target_semaphore(%run_scoped3A : memref<!tpu.dma_semaphore, #tpu.memory_space<semaphore_mem>>)
        %dma_wait3A_133 = tpu.memref_slice %arg3[%add3A_16] : memref<640000xi32, #tpu.memory_space<hbm>> -> memref<2000xi32, #tpu.memory_space<hbm>>
        %dma_wait3A_134 = tpu.memref_slice %arg3[%add3A_16] : memref<640000xi32, #tpu.memory_space<hbm>> -> memref<2000xi32, #tpu.memory_space<hbm>>
        tpu.wait_dma2 semaphore(%run_scoped3A : memref<!tpu.dma_semaphore, #tpu.memory_space<semaphore_mem>>) src(%dma_wait3A_134 : memref<2000xi32, #tpu.memory_space<hbm>>) dst(%arg6 : memref<2000xi32, #tpu.memory_space<vmem>>)
        tpu.yield
      }) : () -> ()
      %add3A_17 = arith.constant 320000 : i32
      %add3A_18 = arith.addi %add3A_17, %add3A_16 : i32
      "tpu.region"() ({
        %run_scoped3A = tpu.sem_alloc : memref<!tpu.dma_semaphore, #tpu.memory_space<semaphore_mem>>
        %dma_start3A_131 = tpu.memref_slice %arg3[%add3A_18] : memref<640000xi32, #tpu.memory_space<hbm>> -> memref<2000xi32, #tpu.memory_space<hbm>>
        %dma_start3A_132 = tpu.memref_slice %arg3[%add3A_18] : memref<640000xi32, #tpu.memory_space<hbm>> -> memref<2000xi32, #tpu.memory_space<hbm>>
        tpu.enqueue_dma source(%dma_start3A_132 : memref<2000xi32, #tpu.memory_space<hbm>>) target(%arg7 : memref<2000xi32, #tpu.memory_space<vmem>>) target_semaphore(%run_scoped3A : memref<!tpu.dma_semaphore, #tpu.memory_space<semaphore_mem>>)
        %dma_wait3A_133 = tpu.memref_slice %arg3[%add3A_18] : memref<640000xi32, #tpu.memory_space<hbm>> -> memref<2000xi32, #tpu.memory_space<hbm>>
        %dma_wait3A_134 = tpu.memref_slice %arg3[%add3A_18] : memref<640000xi32, #tpu.memory_space<hbm>> -> memref<2000xi32, #tpu.memory_space<hbm>>
        tpu.wait_dma2 semaphore(%run_scoped3A : memref<!tpu.dma_semaphore, #tpu.memory_space<semaphore_mem>>) src(%dma_wait3A_134 : memref<2000xi32, #tpu.memory_space<hbm>>) dst(%arg7 : memref<2000xi32, #tpu.memory_space<vmem>>)
        tpu.yield
      }) : () -> ()
      %dma_start3A = arith.constant 0 : i32
      %dma_start3A_19 = arith.constant 0 : i32
      %dma_start3A_20 = arith.constant 0 : i32
      %dma_start3A_21 = tpu.memref_slice %arg9[%dma_start3A, %dma_start3A_19, %dma_start3A_20] : memref<3x80x128xf32, #tpu.memory_space<vmem>> -> memref<1x80x128xf32, #tpu.memory_space<vmem>>
      %dma_start3A_22 = tpu.memref_squeeze %dma_start3A_21 : memref<1x80x128xf32, #tpu.memory_space<vmem>> -> memref<80x128xf32, #tpu.memory_space<vmem>>
      %dma_start3A_23 = arith.constant 0 : i32
      %dma_start3A_24 = tpu.memref_slice %arg6[%dma_start3A_23] : memref<2000xi32, #tpu.memory_space<vmem>> -> memref<80xi32, #tpu.memory_space<vmem>>
      %dma_start3A_25 = arith.constant 0 : i32
      %dma_start3A_26 = arith.constant 0 : i32
      %dma_start3A_27 = tpu.memref_slice %arg2[%dma_start3A_25, %dma_start3A_26] : memref<10240x128xf32, #tpu.memory_space<hbm>> -> memref<10240x128xf32, #tpu.memory_space<hbm>>
      tpu.enqueue_indirect_dma source(%dma_start3A_27 : memref<10240x128xf32, #tpu.memory_space<hbm>>) target(%dma_start3A_22 : memref<80x128xf32, #tpu.memory_space<vmem>>) offsets(%dma_start3A_24 : memref<80xi32, #tpu.memory_space<vmem>>) semaphore(%arg10 : memref<!tpu.dma_semaphore, #tpu.memory_space<semaphore_mem>>)
      %dma_start3A_28 = arith.constant 1 : i32
      %dma_start3A_29 = arith.constant 0 : i32
      %dma_start3A_30 = arith.constant 0 : i32
      %dma_start3A_31 = tpu.memref_slice %arg9[%dma_start3A_28, %dma_start3A_29, %dma_start3A_30] : memref<3x80x128xf32, #tpu.memory_space<vmem>> -> memref<1x80x128xf32, #tpu.memory_space<vmem>>
      %dma_start3A_32 = tpu.memref_squeeze %dma_start3A_31 : memref<1x80x128xf32, #tpu.memory_space<vmem>> -> memref<80x128xf32, #tpu.memory_space<vmem>>
      %dma_start3A_33 = arith.constant 80 : i32
      %dma_start3A_34 = tpu.memref_slice %arg6[%dma_start3A_33] : memref<2000xi32, #tpu.memory_space<vmem>> -> memref<80xi32, #tpu.memory_space<vmem>>
      %dma_start3A_35 = arith.constant 0 : i32
      %dma_start3A_36 = arith.constant 0 : i32
      %dma_start3A_37 = tpu.memref_slice %arg2[%dma_start3A_35, %dma_start3A_36] : memref<10240x128xf32, #tpu.memory_space<hbm>> -> memref<10240x128xf32, #tpu.memory_space<hbm>>
      tpu.enqueue_indirect_dma source(%dma_start3A_37 : memref<10240x128xf32, #tpu.memory_space<hbm>>) target(%dma_start3A_32 : memref<80x128xf32, #tpu.memory_space<vmem>>) offsets(%dma_start3A_34 : memref<80xi32, #tpu.memory_space<vmem>>) semaphore(%arg10 : memref<!tpu.dma_semaphore, #tpu.memory_space<semaphore_mem>>)
      %scan3A_38 = arith.constant 0 : i32
      %scan3A_39 = arith.constant 0 : i32
      %scan3A_40 = arith.constant 8 : i32
      %scan3A_41 = arith.addi %scan3A_39, %scan3A_40 : i32
      %scan3A_42 = arith.constant 1 : i32
      %scan3A_43 = scf.for %scan3A_131 = %scan3A_39 to %scan3A_41 step %scan3A_42 iter_args(%scan3A_132 = %scan3A_38) -> (i32)  : i32 {
        %mul3A_133 = arith.constant 3 : i32
        %mul3A_134 = arith.muli %mul3A_133, %scan3A_131 : i32
        %add3A_135 = arith.constant 0 : i32
        %add3A_136 = arith.addi %mul3A_134, %add3A_135 : i32
        %ge3A = arith.constant 1 : i32
        %ge3A_137 = arith.cmpi sge, %add3A_136, %ge3A : i32
        %convert_element_type3A = arith.extui %ge3A_137 : i1 to i32
        %cond3A = arith.constant 0 : i32
        %cond3A_138 = arith.cmpi ne, %convert_element_type3A, %cond3A : i32
        scf.if %cond3A_138 {
          %dma_wait3A_397 = arith.constant 2 : i32
          %dma_wait3A_398 = arith.constant 0 : i32
          %dma_wait3A_399 = arith.constant 0 : i32
          %dma_wait3A_400 = tpu.memref_slice %arg9[%dma_wait3A_397, %dma_wait3A_398, %dma_wait3A_399] : memref<3x80x128xf32, #tpu.memory_space<vmem>> -> memref<1x80x128xf32, #tpu.memory_space<vmem>>
          %dma_wait3A_401 = tpu.memref_squeeze %dma_wait3A_400 : memref<1x80x128xf32, #tpu.memory_space<vmem>> -> memref<80x128xf32, #tpu.memory_space<vmem>>
          %dma_wait3A_402 = arith.constant 0 : i32
          %dma_wait3A_403 = arith.constant 0 : i32
          %dma_wait3A_404 = tpu.memref_slice %arg5[%dma_wait3A_402, %dma_wait3A_403] : memref<10240x128xf32, #tpu.memory_space<vmem_shared>> -> memref<80x128xf32, #tpu.memory_space<vmem_shared>>
          %dma_wait3A_405 = arith.constant 0 : i32
          %dma_wait3A_406 = arith.constant 0 : i32
          %dma_wait3A_407 = tpu.memref_slice %arg5[%dma_wait3A_405, %dma_wait3A_406] : memref<10240x128xf32, #tpu.memory_space<vmem_shared>> -> memref<80x128xf32, #tpu.memory_space<vmem_shared>>
          %dma_wait3A_408 = arith.constant 0 : i32
          %dma_wait3A_409 = arith.constant 0 : i32
          %dma_wait3A_410 = tpu.memref_slice %arg9[%dma_wait3A_397, %dma_wait3A_408, %dma_wait3A_409] : memref<3x80x128xf32, #tpu.memory_space<vmem>> -> memref<1x80x128xf32, #tpu.memory_space<vmem>>
          %dma_wait3A_411 = tpu.memref_squeeze %dma_wait3A_410 : memref<1x80x128xf32, #tpu.memory_space<vmem>> -> memref<80x128xf32, #tpu.memory_space<vmem>>
          tpu.wait_dma2 semaphore(%arg11 : memref<!tpu.dma_semaphore, #tpu.memory_space<semaphore_mem>>) src(%dma_wait3A_411 : memref<80x128xf32, #tpu.memory_space<vmem>>) dst(%dma_wait3A_407 : memref<80x128xf32, #tpu.memory_space<vmem_shared>>)
        } else {
        }
        %add3A_139 = arith.constant 2 : i32
        %add3A_140 = arith.addi %add3A_136, %add3A_139 : i32
        %lt3A = arith.constant 25 : i32
        %lt3A_141 = arith.cmpi slt, %add3A_140, %lt3A : i32
        %convert_element_type3A_142 = arith.extui %lt3A_141 : i1 to i32
        %cond3A_143 = arith.constant 0 : i32
        %cond3A_144 = arith.cmpi ne, %convert_element_type3A_142, %cond3A_143 : i32
        scf.if %cond3A_144 {
          %add3A_397 = arith.constant 2 : i32
          %add3A_398 = arith.addi %add3A_136, %add3A_397 : i32
          %mul3A_399 = arith.constant 80 : i32
          %mul3A_400 = arith.muli %add3A_398, %mul3A_399 : i32
          %dma_start3A_401 = arith.constant 2 : i32
          %dma_start3A_402 = arith.constant 0 : i32
          %dma_start3A_403 = arith.constant 0 : i32
          %dma_start3A_404 = tpu.memref_slice %arg9[%dma_start3A_401, %dma_start3A_402, %dma_start3A_403] : memref<3x80x128xf32, #tpu.memory_space<vmem>> -> memref<1x80x128xf32, #tpu.memory_space<vmem>>
          %dma_start3A_405 = tpu.memref_squeeze %dma_start3A_404 : memref<1x80x128xf32, #tpu.memory_space<vmem>> -> memref<80x128xf32, #tpu.memory_space<vmem>>
          %dma_start3A_406 = tpu.memref_slice %arg6[%mul3A_400] : memref<2000xi32, #tpu.memory_space<vmem>> -> memref<80xi32, #tpu.memory_space<vmem>>
          %dma_start3A_407 = arith.constant 0 : i32
          %dma_start3A_408 = arith.constant 0 : i32
          %dma_start3A_409 = tpu.memref_slice %arg2[%dma_start3A_407, %dma_start3A_408] : memref<10240x128xf32, #tpu.memory_space<hbm>> -> memref<10240x128xf32, #tpu.memory_space<hbm>>
          tpu.enqueue_indirect_dma source(%dma_start3A_409 : memref<10240x128xf32, #tpu.memory_space<hbm>>) target(%dma_start3A_405 : memref<80x128xf32, #tpu.memory_space<vmem>>) offsets(%dma_start3A_406 : memref<80xi32, #tpu.memory_space<vmem>>) semaphore(%arg10 : memref<!tpu.dma_semaphore, #tpu.memory_space<semaphore_mem>>)
        } else {
        }
        %dma_wait3A_145 = arith.constant 0 : i32
        %dma_wait3A_146 = arith.constant 0 : i32
        %dma_wait3A_147 = arith.constant 0 : i32
        %dma_wait3A_148 = tpu.memref_slice %arg9[%dma_wait3A_145, %dma_wait3A_146, %dma_wait3A_147] : memref<3x80x128xf32, #tpu.memory_space<vmem>> -> memref<1x80x128xf32, #tpu.memory_space<vmem>>
        %dma_wait3A_149 = tpu.memref_squeeze %dma_wait3A_148 : memref<1x80x128xf32, #tpu.memory_space<vmem>> -> memref<80x128xf32, #tpu.memory_space<vmem>>
        %dma_wait3A_150 = arith.constant 0 : i32
        %dma_wait3A_151 = arith.constant 0 : i32
        %dma_wait3A_152 = tpu.memref_slice %arg2[%dma_wait3A_150, %dma_wait3A_151] : memref<10240x128xf32, #tpu.memory_space<hbm>> -> memref<80x128xf32, #tpu.memory_space<hbm>>
        %dma_wait3A_153 = arith.constant 0 : i32
        %dma_wait3A_154 = arith.constant 0 : i32
        %dma_wait3A_155 = tpu.memref_slice %arg9[%dma_wait3A_145, %dma_wait3A_153, %dma_wait3A_154] : memref<3x80x128xf32, #tpu.memory_space<vmem>> -> memref<1x80x128xf32, #tpu.memory_space<vmem>>
        %dma_wait3A_156 = tpu.memref_squeeze %dma_wait3A_155 : memref<1x80x128xf32, #tpu.memory_space<vmem>> -> memref<80x128xf32, #tpu.memory_space<vmem>>
        %dma_wait3A_157 = arith.constant 0 : i32
        %dma_wait3A_158 = arith.constant 0 : i32
        %dma_wait3A_159 = tpu.memref_slice %arg2[%dma_wait3A_157, %dma_wait3A_158] : memref<10240x128xf32, #tpu.memory_space<hbm>> -> memref<80x128xf32, #tpu.memory_space<hbm>>
        tpu.wait_dma2 semaphore(%arg10 : memref<!tpu.dma_semaphore, #tpu.memory_space<semaphore_mem>>) src(%dma_wait3A_159 : memref<80x128xf32, #tpu.memory_space<hbm>>) dst(%dma_wait3A_156 : memref<80x128xf32, #tpu.memory_space<vmem>>)
        %mul3A_160 = arith.constant 80 : i32
        %mul3A_161 = arith.muli %add3A_136, %mul3A_160 : i32
        %add3A_162 = arith.constant 0 : i32
        %add3A_163 = arith.addi %mul3A_161, %add3A_162 : i32
        %get3A_164 = arith.index_cast %add3A_163 : i32 to index
        %get3A_165 = tpu.vector_load %arg7[%get3A_164] {strides = array<i32>} : memref<2000xi32, #tpu.memory_space<vmem>>, vector<16xi32>,
        %swap3A_166 = arith.constant 0 : index
        %swap3A_167 = tpu.vector_load %arg8[%swap3A_166] {strides = array<i32>} : memref<80xi32, #tpu.memory_space<vmem>>, vector<16xi32>,
        %swap3A_168 = vector.shape_cast %swap3A_167 : vector<16xi32> to vector<16xi32>
        %swap3A_169 = vector.shape_cast %get3A_165 : vector<16xi32> to vector<16xi32>
        tpu.vector_store %arg8[%swap3A_166], %swap3A_169 {strides = array<i32>} : memref<80xi32, #tpu.memory_space<vmem>>, vector<16xi32>,
        %mul3A_170 = arith.constant 80 : i32
        %mul3A_171 = arith.muli %add3A_136, %mul3A_170 : i32
        %add3A_172 = arith.constant 16 : i32
        %add3A_173 = arith.addi %mul3A_171, %add3A_172 : i32
        %get3A_174 = arith.index_cast %add3A_173 : i32 to index
        %get3A_175 = tpu.vector_load %arg7[%get3A_174] {strides = array<i32>} : memref<2000xi32, #tpu.memory_space<vmem>>, vector<16xi32>,
        %swap3A_176 = arith.constant 16 : index
        %swap3A_177 = tpu.vector_load %arg8[%swap3A_176] {strides = array<i32>} : memref<80xi32, #tpu.memory_space<vmem>>, vector<16xi32>,
        %swap3A_178 = vector.shape_cast %swap3A_177 : vector<16xi32> to vector<16xi32>
        %swap3A_179 = vector.shape_cast %get3A_175 : vector<16xi32> to vector<16xi32>
        tpu.vector_store %arg8[%swap3A_176], %swap3A_179 {strides = array<i32>} : memref<80xi32, #tpu.memory_space<vmem>>, vector<16xi32>,
        %mul3A_180 = arith.constant 80 : i32
        %mul3A_181 = arith.muli %add3A_136, %mul3A_180 : i32
        %add3A_182 = arith.constant 32 : i32
        %add3A_183 = arith.addi %mul3A_181, %add3A_182 : i32
        %get3A_184 = arith.index_cast %add3A_183 : i32 to index
        %get3A_185 = tpu.vector_load %arg7[%get3A_184] {strides = array<i32>} : memref<2000xi32, #tpu.memory_space<vmem>>, vector<16xi32>,
        %swap3A_186 = arith.constant 32 : index
        %swap3A_187 = tpu.vector_load %arg8[%swap3A_186] {strides = array<i32>} : memref<80xi32, #tpu.memory_space<vmem>>, vector<16xi32>,
        %swap3A_188 = vector.shape_cast %swap3A_187 : vector<16xi32> to vector<16xi32>
        %swap3A_189 = vector.shape_cast %get3A_185 : vector<16xi32> to vector<16xi32>
        tpu.vector_store %arg8[%swap3A_186], %swap3A_189 {strides = array<i32>} : memref<80xi32, #tpu.memory_space<vmem>>, vector<16xi32>,
        %mul3A_190 = arith.constant 80 : i32
        %mul3A_191 = arith.muli %add3A_136, %mul3A_190 : i32
        %add3A_192 = arith.constant 48 : i32
        %add3A_193 = arith.addi %mul3A_191, %add3A_192 : i32
        %get3A_194 = arith.index_cast %add3A_193 : i32 to index
        %get3A_195 = tpu.vector_load %arg7[%get3A_194] {strides = array<i32>} : memref<2000xi32, #tpu.memory_space<vmem>>, vector<16xi32>,
        %swap3A_196 = arith.constant 48 : index
        %swap3A_197 = tpu.vector_load %arg8[%swap3A_196] {strides = array<i32>} : memref<80xi32, #tpu.memory_space<vmem>>, vector<16xi32>,
        %swap3A_198 = vector.shape_cast %swap3A_197 : vector<16xi32> to vector<16xi32>
        %swap3A_199 = vector.shape_cast %get3A_195 : vector<16xi32> to vector<16xi32>
        tpu.vector_store %arg8[%swap3A_196], %swap3A_199 {strides = array<i32>} : memref<80xi32, #tpu.memory_space<vmem>>, vector<16xi32>,
        %mul3A_200 = arith.constant 80 : i32
        %mul3A_201 = arith.muli %add3A_136, %mul3A_200 : i32
        %add3A_202 = arith.constant 64 : i32
        %add3A_203 = arith.addi %mul3A_201, %add3A_202 : i32
        %get3A_204 = arith.index_cast %add3A_203 : i32 to index
        %get3A_205 = tpu.vector_load %arg7[%get3A_204] {strides = array<i32>} : memref<2000xi32, #tpu.memory_space<vmem>>, vector<16xi32>,
        %swap3A_206 = arith.constant 64 : index
        %swap3A_207 = tpu.vector_load %arg8[%swap3A_206] {strides = array<i32>} : memref<80xi32, #tpu.memory_space<vmem>>, vector<16xi32>,
        %swap3A_208 = vector.shape_cast %swap3A_207 : vector<16xi32> to vector<16xi32>
        %swap3A_209 = vector.shape_cast %get3A_205 : vector<16xi32> to vector<16xi32>
        tpu.vector_store %arg8[%swap3A_206], %swap3A_209 {strides = array<i32>} : memref<80xi32, #tpu.memory_space<vmem>>, vector<16xi32>,
        %dma_start3A_210 = arith.constant 0 : i32
        %dma_start3A_211 = arith.constant 0 : i32
        %dma_start3A_212 = arith.constant 0 : i32
        %dma_start3A_213 = tpu.memref_slice %arg9[%dma_start3A_210, %dma_start3A_211, %dma_start3A_212] : memref<3x80x128xf32, #tpu.memory_space<vmem>> -> memref<1x80x128xf32, #tpu.memory_space<vmem>>
        %dma_start3A_214 = tpu.memref_squeeze %dma_start3A_213 : memref<1x80x128xf32, #tpu.memory_space<vmem>> -> memref<80x128xf32, #tpu.memory_space<vmem>>
        %dma_start3A_215 = arith.constant 0 : i32
        %dma_start3A_216 = arith.constant 0 : i32
        %dma_start3A_217 = tpu.memref_slice %arg5[%dma_start3A_215, %dma_start3A_216] : memref<10240x128xf32, #tpu.memory_space<vmem_shared>> -> memref<10240x128xf32, #tpu.memory_space<vmem_shared>>
        tpu.enqueue_indirect_dma source(%dma_start3A_214 : memref<80x128xf32, #tpu.memory_space<vmem>>) target(%dma_start3A_217 : memref<10240x128xf32, #tpu.memory_space<vmem_shared>>) offsets(%arg8 : memref<80xi32, #tpu.memory_space<vmem>>) semaphore(%arg11 : memref<!tpu.dma_semaphore, #tpu.memory_space<semaphore_mem>>) {add = true}
        %mul3A_218 = arith.constant 3 : i32
        %mul3A_219 = arith.muli %mul3A_218, %scan3A_131 : i32
        %add3A_220 = arith.constant 1 : i32
        %add3A_221 = arith.addi %mul3A_219, %add3A_220 : i32
        %ge3A_222 = arith.constant 1 : i32
        %ge3A_223 = arith.cmpi sge, %add3A_221, %ge3A_222 : i32
        %convert_element_type3A_224 = arith.extui %ge3A_223 : i1 to i32
        %cond3A_225 = arith.constant 0 : i32
        %cond3A_226 = arith.cmpi ne, %convert_element_type3A_224, %cond3A_225 : i32
        scf.if %cond3A_226 {
          %dma_wait3A_397 = arith.constant 0 : i32
          %dma_wait3A_398 = arith.constant 0 : i32
          %dma_wait3A_399 = arith.constant 0 : i32
          %dma_wait3A_400 = tpu.memref_slice %arg9[%dma_wait3A_397, %dma_wait3A_398, %dma_wait3A_399] : memref<3x80x128xf32, #tpu.memory_space<vmem>> -> memref<1x80x128xf32, #tpu.memory_space<vmem>>
          %dma_wait3A_401 = tpu.memref_squeeze %dma_wait3A_400 : memref<1x80x128xf32, #tpu.memory_space<vmem>> -> memref<80x128xf32, #tpu.memory_space<vmem>>
          %dma_wait3A_402 = arith.constant 0 : i32
          %dma_wait3A_403 = arith.constant 0 : i32
          %dma_wait3A_404 = tpu.memref_slice %arg5[%dma_wait3A_402, %dma_wait3A_403] : memref<10240x128xf32, #tpu.memory_space<vmem_shared>> -> memref<80x128xf32, #tpu.memory_space<vmem_shared>>
          %dma_wait3A_405 = arith.constant 0 : i32
          %dma_wait3A_406 = arith.constant 0 : i32
          %dma_wait3A_407 = tpu.memref_slice %arg5[%dma_wait3A_405, %dma_wait3A_406] : memref<10240x128xf32, #tpu.memory_space<vmem_shared>> -> memref<80x128xf32, #tpu.memory_space<vmem_shared>>
          %dma_wait3A_408 = arith.constant 0 : i32
          %dma_wait3A_409 = arith.constant 0 : i32
          %dma_wait3A_410 = tpu.memref_slice %arg9[%dma_wait3A_397, %dma_wait3A_408, %dma_wait3A_409] : memref<3x80x128xf32, #tpu.memory_space<vmem>> -> memref<1x80x128xf32, #tpu.memory_space<vmem>>
          %dma_wait3A_411 = tpu.memref_squeeze %dma_wait3A_410 : memref<1x80x128xf32, #tpu.memory_space<vmem>> -> memref<80x128xf32, #tpu.memory_space<vmem>>
          tpu.wait_dma2 semaphore(%arg11 : memref<!tpu.dma_semaphore, #tpu.memory_space<semaphore_mem>>) src(%dma_wait3A_411 : memref<80x128xf32, #tpu.memory_space<vmem>>) dst(%dma_wait3A_407 : memref<80x128xf32, #tpu.memory_space<vmem_shared>>)
        } else {
        }
        %add3A_227 = arith.constant 2 : i32
        %add3A_228 = arith.addi %add3A_221, %add3A_227 : i32
        %lt3A_229 = arith.constant 25 : i32
        %lt3A_230 = arith.cmpi slt, %add3A_228, %lt3A_229 : i32
        %convert_element_type3A_231 = arith.extui %lt3A_230 : i1 to i32
        %cond3A_232 = arith.constant 0 : i32
        %cond3A_233 = arith.cmpi ne, %convert_element_type3A_231, %cond3A_232 : i32
        scf.if %cond3A_233 {
          %add3A_397 = arith.constant 2 : i32
          %add3A_398 = arith.addi %add3A_221, %add3A_397 : i32
          %mul3A_399 = arith.constant 80 : i32
          %mul3A_400 = arith.muli %add3A_398, %mul3A_399 : i32
          %dma_start3A_401 = arith.constant 0 : i32
          %dma_start3A_402 = arith.constant 0 : i32
          %dma_start3A_403 = arith.constant 0 : i32
          %dma_start3A_404 = tpu.memref_slice %arg9[%dma_start3A_401, %dma_start3A_402, %dma_start3A_403] : memref<3x80x128xf32, #tpu.memory_space<vmem>> -> memref<1x80x128xf32, #tpu.memory_space<vmem>>
          %dma_start3A_405 = tpu.memref_squeeze %dma_start3A_404 : memref<1x80x128xf32, #tpu.memory_space<vmem>> -> memref<80x128xf32, #tpu.memory_space<vmem>>
          %dma_start3A_406 = tpu.memref_slice %arg6[%mul3A_400] : memref<2000xi32, #tpu.memory_space<vmem>> -> memref<80xi32, #tpu.memory_space<vmem>>
          %dma_start3A_407 = arith.constant 0 : i32
          %dma_start3A_408 = arith.constant 0 : i32
          %dma_start3A_409 = tpu.memref_slice %arg2[%dma_start3A_407, %dma_start3A_408] : memref<10240x128xf32, #tpu.memory_space<hbm>> -> memref<10240x128xf32, #tpu.memory_space<hbm>>
          tpu.enqueue_indirect_dma source(%dma_start3A_409 : memref<10240x128xf32, #tpu.memory_space<hbm>>) target(%dma_start3A_405 : memref<80x128xf32, #tpu.memory_space<vmem>>) offsets(%dma_start3A_406 : memref<80xi32, #tpu.memory_space<vmem>>) semaphore(%arg10 : memref<!tpu.dma_semaphore, #tpu.memory_space<semaphore_mem>>)
        } else {
        }
        %dma_wait3A_234 = arith.constant 1 : i32
        %dma_wait3A_235 = arith.constant 0 : i32
        %dma_wait3A_236 = arith.constant 0 : i32
        %dma_wait3A_237 = tpu.memref_slice %arg9[%dma_wait3A_234, %dma_wait3A_235, %dma_wait3A_236] : memref<3x80x128xf32, #tpu.memory_space<vmem>> -> memref<1x80x128xf32, #tpu.memory_space<vmem>>
        %dma_wait3A_238 = tpu.memref_squeeze %dma_wait3A_237 : memref<1x80x128xf32, #tpu.memory_space<vmem>> -> memref<80x128xf32, #tpu.memory_space<vmem>>
        %dma_wait3A_239 = arith.constant 0 : i32
        %dma_wait3A_240 = arith.constant 0 : i32
        %dma_wait3A_241 = tpu.memref_slice %arg2[%dma_wait3A_239, %dma_wait3A_240] : memref<10240x128xf32, #tpu.memory_space<hbm>> -> memref<80x128xf32, #tpu.memory_space<hbm>>
        %dma_wait3A_242 = arith.constant 0 : i32
        %dma_wait3A_243 = arith.constant 0 : i32
        %dma_wait3A_244 = tpu.memref_slice %arg9[%dma_wait3A_234, %dma_wait3A_242, %dma_wait3A_243] : memref<3x80x128xf32, #tpu.memory_space<vmem>> -> memref<1x80x128xf32, #tpu.memory_space<vmem>>
        %dma_wait3A_245 = tpu.memref_squeeze %dma_wait3A_244 : memref<1x80x128xf32, #tpu.memory_space<vmem>> -> memref<80x128xf32, #tpu.memory_space<vmem>>
        %dma_wait3A_246 = arith.constant 0 : i32
        %dma_wait3A_247 = arith.constant 0 : i32
        %dma_wait3A_248 = tpu.memref_slice %arg2[%dma_wait3A_246, %dma_wait3A_247] : memref<10240x128xf32, #tpu.memory_space<hbm>> -> memref<80x128xf32, #tpu.memory_space<hbm>>
        tpu.wait_dma2 semaphore(%arg10 : memref<!tpu.dma_semaphore, #tpu.memory_space<semaphore_mem>>) src(%dma_wait3A_248 : memref<80x128xf32, #tpu.memory_space<hbm>>) dst(%dma_wait3A_245 : memref<80x128xf32, #tpu.memory_space<vmem>>)
        %mul3A_249 = arith.constant 80 : i32
        %mul3A_250 = arith.muli %add3A_221, %mul3A_249 : i32
        %add3A_251 = arith.constant 0 : i32
        %add3A_252 = arith.addi %mul3A_250, %add3A_251 : i32
        %get3A_253 = arith.index_cast %add3A_252 : i32 to index
        %get3A_254 = tpu.vector_load %arg7[%get3A_253] {strides = array<i32>} : memref<2000xi32, #tpu.memory_space<vmem>>, vector<16xi32>,
        %swap3A_255 = arith.constant 0 : index
        %swap3A_256 = tpu.vector_load %arg8[%swap3A_255] {strides = array<i32>} : memref<80xi32, #tpu.memory_space<vmem>>, vector<16xi32>,
        %swap3A_257 = vector.shape_cast %swap3A_256 : vector<16xi32> to vector<16xi32>
        %swap3A_258 = vector.shape_cast %get3A_254 : vector<16xi32> to vector<16xi32>
        tpu.vector_store %arg8[%swap3A_255], %swap3A_258 {strides = array<i32>} : memref<80xi32, #tpu.memory_space<vmem>>, vector<16xi32>,
        %mul3A_259 = arith.constant 80 : i32
        %mul3A_260 = arith.muli %add3A_221, %mul3A_259 : i32
        %add3A_261 = arith.constant 16 : i32
        %add3A_262 = arith.addi %mul3A_260, %add3A_261 : i32
        %get3A_263 = arith.index_cast %add3A_262 : i32 to index
        %get3A_264 = tpu.vector_load %arg7[%get3A_263] {strides = array<i32>} : memref<2000xi32, #tpu.memory_space<vmem>>, vector<16xi32>,
        %swap3A_265 = arith.constant 16 : index
        %swap3A_266 = tpu.vector_load %arg8[%swap3A_265] {strides = array<i32>} : memref<80xi32, #tpu.memory_space<vmem>>, vector<16xi32>,
        %swap3A_267 = vector.shape_cast %swap3A_266 : vector<16xi32> to vector<16xi32>
        %swap3A_268 = vector.shape_cast %get3A_264 : vector<16xi32> to vector<16xi32>
        tpu.vector_store %arg8[%swap3A_265], %swap3A_268 {strides = array<i32>} : memref<80xi32, #tpu.memory_space<vmem>>, vector<16xi32>,
        %mul3A_269 = arith.constant 80 : i32
        %mul3A_270 = arith.muli %add3A_221, %mul3A_269 : i32
        %add3A_271 = arith.constant 32 : i32
        %add3A_272 = arith.addi %mul3A_270, %add3A_271 : i32
        %get3A_273 = arith.index_cast %add3A_272 : i32 to index
        %get3A_274 = tpu.vector_load %arg7[%get3A_273] {strides = array<i32>} : memref<2000xi32, #tpu.memory_space<vmem>>, vector<16xi32>,
        %swap3A_275 = arith.constant 32 : index
        %swap3A_276 = tpu.vector_load %arg8[%swap3A_275] {strides = array<i32>} : memref<80xi32, #tpu.memory_space<vmem>>, vector<16xi32>,
        %swap3A_277 = vector.shape_cast %swap3A_276 : vector<16xi32> to vector<16xi32>
        %swap3A_278 = vector.shape_cast %get3A_274 : vector<16xi32> to vector<16xi32>
        tpu.vector_store %arg8[%swap3A_275], %swap3A_278 {strides = array<i32>} : memref<80xi32, #tpu.memory_space<vmem>>, vector<16xi32>,
        %mul3A_279 = arith.constant 80 : i32
        %mul3A_280 = arith.muli %add3A_221, %mul3A_279 : i32
        %add3A_281 = arith.constant 48 : i32
        %add3A_282 = arith.addi %mul3A_280, %add3A_281 : i32
        %get3A_283 = arith.index_cast %add3A_282 : i32 to index
        %get3A_284 = tpu.vector_load %arg7[%get3A_283] {strides = array<i32>} : memref<2000xi32, #tpu.memory_space<vmem>>, vector<16xi32>,
        %swap3A_285 = arith.constant 48 : index
        %swap3A_286 = tpu.vector_load %arg8[%swap3A_285] {strides = array<i32>} : memref<80xi32, #tpu.memory_space<vmem>>, vector<16xi32>,
        %swap3A_287 = vector.shape_cast %swap3A_286 : vector<16xi32> to vector<16xi32>
        %swap3A_288 = vector.shape_cast %get3A_284 : vector<16xi32> to vector<16xi32>
        tpu.vector_store %arg8[%swap3A_285], %swap3A_288 {strides = array<i32>} : memref<80xi32, #tpu.memory_space<vmem>>, vector<16xi32>,
        %mul3A_289 = arith.constant 80 : i32
        %mul3A_290 = arith.muli %add3A_221, %mul3A_289 : i32
        %add3A_291 = arith.constant 64 : i32
        %add3A_292 = arith.addi %mul3A_290, %add3A_291 : i32
        %get3A_293 = arith.index_cast %add3A_292 : i32 to index
        %get3A_294 = tpu.vector_load %arg7[%get3A_293] {strides = array<i32>} : memref<2000xi32, #tpu.memory_space<vmem>>, vector<16xi32>,
        %swap3A_295 = arith.constant 64 : index
        %swap3A_296 = tpu.vector_load %arg8[%swap3A_295] {strides = array<i32>} : memref<80xi32, #tpu.memory_space<vmem>>, vector<16xi32>,
        %swap3A_297 = vector.shape_cast %swap3A_296 : vector<16xi32> to vector<16xi32>
        %swap3A_298 = vector.shape_cast %get3A_294 : vector<16xi32> to vector<16xi32>
        tpu.vector_store %arg8[%swap3A_295], %swap3A_298 {strides = array<i32>} : memref<80xi32, #tpu.memory_space<vmem>>, vector<16xi32>,
        %dma_start3A_299 = arith.constant 1 : i32
        %dma_start3A_300 = arith.constant 0 : i32
        %dma_start3A_301 = arith.constant 0 : i32
        %dma_start3A_302 = tpu.memref_slice %arg9[%dma_start3A_299, %dma_start3A_300, %dma_start3A_301] : memref<3x80x128xf32, #tpu.memory_space<vmem>> -> memref<1x80x128xf32, #tpu.memory_space<vmem>>
        %dma_start3A_303 = tpu.memref_squeeze %dma_start3A_302 : memref<1x80x128xf32, #tpu.memory_space<vmem>> -> memref<80x128xf32, #tpu.memory_space<vmem>>
        %dma_start3A_304 = arith.constant 0 : i32
        %dma_start3A_305 = arith.constant 0 : i32
        %dma_start3A_306 = tpu.memref_slice %arg5[%dma_start3A_304, %dma_start3A_305] : memref<10240x128xf32, #tpu.memory_space<vmem_shared>> -> memref<10240x128xf32, #tpu.memory_space<vmem_shared>>
        tpu.enqueue_indirect_dma source(%dma_start3A_303 : memref<80x128xf32, #tpu.memory_space<vmem>>) target(%dma_start3A_306 : memref<10240x128xf32, #tpu.memory_space<vmem_shared>>) offsets(%arg8 : memref<80xi32, #tpu.memory_space<vmem>>) semaphore(%arg11 : memref<!tpu.dma_semaphore, #tpu.memory_space<semaphore_mem>>) {add = true}
        %mul3A_307 = arith.constant 3 : i32
        %mul3A_308 = arith.muli %mul3A_307, %scan3A_131 : i32
        %add3A_309 = arith.constant 2 : i32
        %add3A_310 = arith.addi %mul3A_308, %add3A_309 : i32
        %ge3A_311 = arith.constant 1 : i32
        %ge3A_312 = arith.cmpi sge, %add3A_310, %ge3A_311 : i32
        %convert_element_type3A_313 = arith.extui %ge3A_312 : i1 to i32
        %cond3A_314 = arith.constant 0 : i32
        %cond3A_315 = arith.cmpi ne, %convert_element_type3A_313, %cond3A_314 : i32
        scf.if %cond3A_315 {
          %dma_wait3A_397 = arith.constant 1 : i32
          %dma_wait3A_398 = arith.constant 0 : i32
          %dma_wait3A_399 = arith.constant 0 : i32
          %dma_wait3A_400 = tpu.memref_slice %arg9[%dma_wait3A_397, %dma_wait3A_398, %dma_wait3A_399] : memref<3x80x128xf32, #tpu.memory_space<vmem>> -> memref<1x80x128xf32, #tpu.memory_space<vmem>>
          %dma_wait3A_401 = tpu.memref_squeeze %dma_wait3A_400 : memref<1x80x128xf32, #tpu.memory_space<vmem>> -> memref<80x128xf32, #tpu.memory_space<vmem>>
          %dma_wait3A_402 = arith.constant 0 : i32
          %dma_wait3A_403 = arith.constant 0 : i32
          %dma_wait3A_404 = tpu.memref_slice %arg5[%dma_wait3A_402, %dma_wait3A_403] : memref<10240x128xf32, #tpu.memory_space<vmem_shared>> -> memref<80x128xf32, #tpu.memory_space<vmem_shared>>
          %dma_wait3A_405 = arith.constant 0 : i32
          %dma_wait3A_406 = arith.constant 0 : i32
          %dma_wait3A_407 = tpu.memref_slice %arg5[%dma_wait3A_405, %dma_wait3A_406] : memref<10240x128xf32, #tpu.memory_space<vmem_shared>> -> memref<80x128xf32, #tpu.memory_space<vmem_shared>>
          %dma_wait3A_408 = arith.constant 0 : i32
          %dma_wait3A_409 = arith.constant 0 : i32
          %dma_wait3A_410 = tpu.memref_slice %arg9[%dma_wait3A_397, %dma_wait3A_408, %dma_wait3A_409] : memref<3x80x128xf32, #tpu.memory_space<vmem>> -> memref<1x80x128xf32, #tpu.memory_space<vmem>>
          %dma_wait3A_411 = tpu.memref_squeeze %dma_wait3A_410 : memref<1x80x128xf32, #tpu.memory_space<vmem>> -> memref<80x128xf32, #tpu.memory_space<vmem>>
          tpu.wait_dma2 semaphore(%arg11 : memref<!tpu.dma_semaphore, #tpu.memory_space<semaphore_mem>>) src(%dma_wait3A_411 : memref<80x128xf32, #tpu.memory_space<vmem>>) dst(%dma_wait3A_407 : memref<80x128xf32, #tpu.memory_space<vmem_shared>>)
        } else {
        }
        %add3A_316 = arith.constant 2 : i32
        %add3A_317 = arith.addi %add3A_310, %add3A_316 : i32
        %lt3A_318 = arith.constant 25 : i32
        %lt3A_319 = arith.cmpi slt, %add3A_317, %lt3A_318 : i32
        %convert_element_type3A_320 = arith.extui %lt3A_319 : i1 to i32
        %cond3A_321 = arith.constant 0 : i32
        %cond3A_322 = arith.cmpi ne, %convert_element_type3A_320, %cond3A_321 : i32
        scf.if %cond3A_322 {
          %add3A_397 = arith.constant 2 : i32
          %add3A_398 = arith.addi %add3A_310, %add3A_397 : i32
          %mul3A_399 = arith.constant 80 : i32
          %mul3A_400 = arith.muli %add3A_398, %mul3A_399 : i32
          %dma_start3A_401 = arith.constant 1 : i32
          %dma_start3A_402 = arith.constant 0 : i32
          %dma_start3A_403 = arith.constant 0 : i32
          %dma_start3A_404 = tpu.memref_slice %arg9[%dma_start3A_401, %dma_start3A_402, %dma_start3A_403] : memref<3x80x128xf32, #tpu.memory_space<vmem>> -> memref<1x80x128xf32, #tpu.memory_space<vmem>>
          %dma_start3A_405 = tpu.memref_squeeze %dma_start3A_404 : memref<1x80x128xf32, #tpu.memory_space<vmem>> -> memref<80x128xf32, #tpu.memory_space<vmem>>
          %dma_start3A_406 = tpu.memref_slice %arg6[%mul3A_400] : memref<2000xi32, #tpu.memory_space<vmem>> -> memref<80xi32, #tpu.memory_space<vmem>>
          %dma_start3A_407 = arith.constant 0 : i32
          %dma_start3A_408 = arith.constant 0 : i32
          %dma_start3A_409 = tpu.memref_slice %arg2[%dma_start3A_407, %dma_start3A_408] : memref<10240x128xf32, #tpu.memory_space<hbm>> -> memref<10240x128xf32, #tpu.memory_space<hbm>>
          tpu.enqueue_indirect_dma source(%dma_start3A_409 : memref<10240x128xf32, #tpu.memory_space<hbm>>) target(%dma_start3A_405 : memref<80x128xf32, #tpu.memory_space<vmem>>) offsets(%dma_start3A_406 : memref<80xi32, #tpu.memory_space<vmem>>) semaphore(%arg10 : memref<!tpu.dma_semaphore, #tpu.memory_space<semaphore_mem>>)
        } else {
        }
        %dma_wait3A_323 = arith.constant 2 : i32
        %dma_wait3A_324 = arith.constant 0 : i32
        %dma_wait3A_325 = arith.constant 0 : i32
        %dma_wait3A_326 = tpu.memref_slice %arg9[%dma_wait3A_323, %dma_wait3A_324, %dma_wait3A_325] : memref<3x80x128xf32, #tpu.memory_space<vmem>> -> memref<1x80x128xf32, #tpu.memory_space<vmem>>
        %dma_wait3A_327 = tpu.memref_squeeze %dma_wait3A_326 : memref<1x80x128xf32, #tpu.memory_space<vmem>> -> memref<80x128xf32, #tpu.memory_space<vmem>>
        %dma_wait3A_328 = arith.constant 0 : i32
        %dma_wait3A_329 = arith.constant 0 : i32
        %dma_wait3A_330 = tpu.memref_slice %arg2[%dma_wait3A_328, %dma_wait3A_329] : memref<10240x128xf32, #tpu.memory_space<hbm>> -> memref<80x128xf32, #tpu.memory_space<hbm>>
        %dma_wait3A_331 = arith.constant 0 : i32
        %dma_wait3A_332 = arith.constant 0 : i32
        %dma_wait3A_333 = tpu.memref_slice %arg9[%dma_wait3A_323, %dma_wait3A_331, %dma_wait3A_332] : memref<3x80x128xf32, #tpu.memory_space<vmem>> -> memref<1x80x128xf32, #tpu.memory_space<vmem>>
        %dma_wait3A_334 = tpu.memref_squeeze %dma_wait3A_333 : memref<1x80x128xf32, #tpu.memory_space<vmem>> -> memref<80x128xf32, #tpu.memory_space<vmem>>
        %dma_wait3A_335 = arith.constant 0 : i32
        %dma_wait3A_336 = arith.constant 0 : i32
        %dma_wait3A_337 = tpu.memref_slice %arg2[%dma_wait3A_335, %dma_wait3A_336] : memref<10240x128xf32, #tpu.memory_space<hbm>> -> memref<80x128xf32, #tpu.memory_space<hbm>>
        tpu.wait_dma2 semaphore(%arg10 : memref<!tpu.dma_semaphore, #tpu.memory_space<semaphore_mem>>) src(%dma_wait3A_337 : memref<80x128xf32, #tpu.memory_space<hbm>>) dst(%dma_wait3A_334 : memref<80x128xf32, #tpu.memory_space<vmem>>)
        %mul3A_338 = arith.constant 80 : i32
        %mul3A_339 = arith.muli %add3A_310, %mul3A_338 : i32
        %add3A_340 = arith.constant 0 : i32
        %add3A_341 = arith.addi %mul3A_339, %add3A_340 : i32
        %get3A_342 = arith.index_cast %add3A_341 : i32 to index
        %get3A_343 = tpu.vector_load %arg7[%get3A_342] {strides = array<i32>} : memref<2000xi32, #tpu.memory_space<vmem>>, vector<16xi32>,
        %swap3A_344 = arith.constant 0 : index
        %swap3A_345 = tpu.vector_load %arg8[%swap3A_344] {strides = array<i32>} : memref<80xi32, #tpu.memory_space<vmem>>, vector<16xi32>,
        %swap3A_346 = vector.shape_cast %swap3A_345 : vector<16xi32> to vector<16xi32>
        %swap3A_347 = vector.shape_cast %get3A_343 : vector<16xi32> to vector<16xi32>
        tpu.vector_store %arg8[%swap3A_344], %swap3A_347 {strides = array<i32>} : memref<80xi32, #tpu.memory_space<vmem>>, vector<16xi32>,
        %mul3A_348 = arith.constant 80 : i32
        %mul3A_349 = arith.muli %add3A_310, %mul3A_348 : i32
        %add3A_350 = arith.constant 16 : i32
        %add3A_351 = arith.addi %mul3A_349, %add3A_350 : i32
        %get3A_352 = arith.index_cast %add3A_351 : i32 to index
        %get3A_353 = tpu.vector_load %arg7[%get3A_352] {strides = array<i32>} : memref<2000xi32, #tpu.memory_space<vmem>>, vector<16xi32>,
        %swap3A_354 = arith.constant 16 : index
        %swap3A_355 = tpu.vector_load %arg8[%swap3A_354] {strides = array<i32>} : memref<80xi32, #tpu.memory_space<vmem>>, vector<16xi32>,
        %swap3A_356 = vector.shape_cast %swap3A_355 : vector<16xi32> to vector<16xi32>
        %swap3A_357 = vector.shape_cast %get3A_353 : vector<16xi32> to vector<16xi32>
        tpu.vector_store %arg8[%swap3A_354], %swap3A_357 {strides = array<i32>} : memref<80xi32, #tpu.memory_space<vmem>>, vector<16xi32>,
        %mul3A_358 = arith.constant 80 : i32
        %mul3A_359 = arith.muli %add3A_310, %mul3A_358 : i32
        %add3A_360 = arith.constant 32 : i32
        %add3A_361 = arith.addi %mul3A_359, %add3A_360 : i32
        %get3A_362 = arith.index_cast %add3A_361 : i32 to index
        %get3A_363 = tpu.vector_load %arg7[%get3A_362] {strides = array<i32>} : memref<2000xi32, #tpu.memory_space<vmem>>, vector<16xi32>,
        %swap3A_364 = arith.constant 32 : index
        %swap3A_365 = tpu.vector_load %arg8[%swap3A_364] {strides = array<i32>} : memref<80xi32, #tpu.memory_space<vmem>>, vector<16xi32>,
        %swap3A_366 = vector.shape_cast %swap3A_365 : vector<16xi32> to vector<16xi32>
        %swap3A_367 = vector.shape_cast %get3A_363 : vector<16xi32> to vector<16xi32>
        tpu.vector_store %arg8[%swap3A_364], %swap3A_367 {strides = array<i32>} : memref<80xi32, #tpu.memory_space<vmem>>, vector<16xi32>,
        %mul3A_368 = arith.constant 80 : i32
        %mul3A_369 = arith.muli %add3A_310, %mul3A_368 : i32
        %add3A_370 = arith.constant 48 : i32
        %add3A_371 = arith.addi %mul3A_369, %add3A_370 : i32
        %get3A_372 = arith.index_cast %add3A_371 : i32 to index
        %get3A_373 = tpu.vector_load %arg7[%get3A_372] {strides = array<i32>} : memref<2000xi32, #tpu.memory_space<vmem>>, vector<16xi32>,
        %swap3A_374 = arith.constant 48 : index
        %swap3A_375 = tpu.vector_load %arg8[%swap3A_374] {strides = array<i32>} : memref<80xi32, #tpu.memory_space<vmem>>, vector<16xi32>,
        %swap3A_376 = vector.shape_cast %swap3A_375 : vector<16xi32> to vector<16xi32>
        %swap3A_377 = vector.shape_cast %get3A_373 : vector<16xi32> to vector<16xi32>
        tpu.vector_store %arg8[%swap3A_374], %swap3A_377 {strides = array<i32>} : memref<80xi32, #tpu.memory_space<vmem>>, vector<16xi32>,
        %mul3A_378 = arith.constant 80 : i32
        %mul3A_379 = arith.muli %add3A_310, %mul3A_378 : i32
        %add3A_380 = arith.constant 64 : i32
        %add3A_381 = arith.addi %mul3A_379, %add3A_380 : i32
        %get3A_382 = arith.index_cast %add3A_381 : i32 to index
        %get3A_383 = tpu.vector_load %arg7[%get3A_382] {strides = array<i32>} : memref<2000xi32, #tpu.memory_space<vmem>>, vector<16xi32>,
        %swap3A_384 = arith.constant 64 : index
        %swap3A_385 = tpu.vector_load %arg8[%swap3A_384] {strides = array<i32>} : memref<80xi32, #tpu.memory_space<vmem>>, vector<16xi32>,
        %swap3A_386 = vector.shape_cast %swap3A_385 : vector<16xi32> to vector<16xi32>
        %swap3A_387 = vector.shape_cast %get3A_383 : vector<16xi32> to vector<16xi32>
        tpu.vector_store %arg8[%swap3A_384], %swap3A_387 {strides = array<i32>} : memref<80xi32, #tpu.memory_space<vmem>>, vector<16xi32>,
        %dma_start3A_388 = arith.constant 2 : i32
        %dma_start3A_389 = arith.constant 0 : i32
        %dma_start3A_390 = arith.constant 0 : i32
        %dma_start3A_391 = tpu.memref_slice %arg9[%dma_start3A_388, %dma_start3A_389, %dma_start3A_390] : memref<3x80x128xf32, #tpu.memory_space<vmem>> -> memref<1x80x128xf32, #tpu.memory_space<vmem>>
        %dma_start3A_392 = tpu.memref_squeeze %dma_start3A_391 : memref<1x80x128xf32, #tpu.memory_space<vmem>> -> memref<80x128xf32, #tpu.memory_space<vmem>>
        %dma_start3A_393 = arith.constant 0 : i32
        %dma_start3A_394 = arith.constant 0 : i32
        %dma_start3A_395 = tpu.memref_slice %arg5[%dma_start3A_393, %dma_start3A_394] : memref<10240x128xf32, #tpu.memory_space<vmem_shared>> -> memref<10240x128xf32, #tpu.memory_space<vmem_shared>>
        tpu.enqueue_indirect_dma source(%dma_start3A_392 : memref<80x128xf32, #tpu.memory_space<vmem>>) target(%dma_start3A_395 : memref<10240x128xf32, #tpu.memory_space<vmem_shared>>) offsets(%arg8 : memref<80xi32, #tpu.memory_space<vmem>>) semaphore(%arg11 : memref<!tpu.dma_semaphore, #tpu.memory_space<semaphore_mem>>) {add = true}
        %scan3A_396 = arith.constant 0 : i32
        scf.yield %scan3A_396 : i32
      }
      %scan3A_44 = arith.constant 8 : i32
      %dma_wait3A = arith.constant 2 : i32
      %dma_wait3A_45 = arith.constant 0 : i32
      %dma_wait3A_46 = arith.constant 0 : i32
      %dma_wait3A_47 = tpu.memref_slice %arg9[%dma_wait3A, %dma_wait3A_45, %dma_wait3A_46] : memref<3x80x128xf32, #tpu.memory_space<vmem>> -> memref<1x80x128xf32, #tpu.memory_space<vmem>>
      %dma_wait3A_48 = tpu.memref_squeeze %dma_wait3A_47 : memref<1x80x128xf32, #tpu.memory_space<vmem>> -> memref<80x128xf32, #tpu.memory_space<vmem>>
      %dma_wait3A_49 = arith.constant 0 : i32
      %dma_wait3A_50 = arith.constant 0 : i32
      %dma_wait3A_51 = tpu.memref_slice %arg5[%dma_wait3A_49, %dma_wait3A_50] : memref<10240x128xf32, #tpu.memory_space<vmem_shared>> -> memref<80x128xf32, #tpu.memory_space<vmem_shared>>
      %dma_wait3A_52 = arith.constant 0 : i32
      %dma_wait3A_53 = arith.constant 0 : i32
      %dma_wait3A_54 = tpu.memref_slice %arg5[%dma_wait3A_52, %dma_wait3A_53] : memref<10240x128xf32, #tpu.memory_space<vmem_shared>> -> memref<80x128xf32, #tpu.memory_space<vmem_shared>>
      %dma_wait3A_55 = arith.constant 0 : i32
      %dma_wait3A_56 = arith.constant 0 : i32
      %dma_wait3A_57 = tpu.memref_slice %arg9[%dma_wait3A, %dma_wait3A_55, %dma_wait3A_56] : memref<3x80x128xf32, #tpu.memory_space<vmem>> -> memref<1x80x128xf32, #tpu.memory_space<vmem>>
      %dma_wait3A_58 = tpu.memref_squeeze %dma_wait3A_57 : memref<1x80x128xf32, #tpu.memory_space<vmem>> -> memref<80x128xf32, #tpu.memory_space<vmem>>
      tpu.wait_dma2 semaphore(%arg11 : memref<!tpu.dma_semaphore, #tpu.memory_space<semaphore_mem>>) src(%dma_wait3A_58 : memref<80x128xf32, #tpu.memory_space<vmem>>) dst(%dma_wait3A_54 : memref<80x128xf32, #tpu.memory_space<vmem_shared>>)
      %dma_wait3A_59 = arith.constant 0 : i32
      %dma_wait3A_60 = arith.constant 0 : i32
      %dma_wait3A_61 = arith.constant 0 : i32
      %dma_wait3A_62 = tpu.memref_slice %arg9[%dma_wait3A_59, %dma_wait3A_60, %dma_wait3A_61] : memref<3x80x128xf32, #tpu.memory_space<vmem>> -> memref<1x80x128xf32, #tpu.memory_space<vmem>>
      %dma_wait3A_63 = tpu.memref_squeeze %dma_wait3A_62 : memref<1x80x128xf32, #tpu.memory_space<vmem>> -> memref<80x128xf32, #tpu.memory_space<vmem>>
      %dma_wait3A_64 = arith.constant 0 : i32
      %dma_wait3A_65 = arith.constant 0 : i32
      %dma_wait3A_66 = tpu.memref_slice %arg2[%dma_wait3A_64, %dma_wait3A_65] : memref<10240x128xf32, #tpu.memory_space<hbm>> -> memref<80x128xf32, #tpu.memory_space<hbm>>
      %dma_wait3A_67 = arith.constant 0 : i32
      %dma_wait3A_68 = arith.constant 0 : i32
      %dma_wait3A_69 = tpu.memref_slice %arg9[%dma_wait3A_59, %dma_wait3A_67, %dma_wait3A_68] : memref<3x80x128xf32, #tpu.memory_space<vmem>> -> memref<1x80x128xf32, #tpu.memory_space<vmem>>
      %dma_wait3A_70 = tpu.memref_squeeze %dma_wait3A_69 : memref<1x80x128xf32, #tpu.memory_space<vmem>> -> memref<80x128xf32, #tpu.memory_space<vmem>>
      %dma_wait3A_71 = arith.constant 0 : i32
      %dma_wait3A_72 = arith.constant 0 : i32
      %dma_wait3A_73 = tpu.memref_slice %arg2[%dma_wait3A_71, %dma_wait3A_72] : memref<10240x128xf32, #tpu.memory_space<hbm>> -> memref<80x128xf32, #tpu.memory_space<hbm>>
      tpu.wait_dma2 semaphore(%arg10 : memref<!tpu.dma_semaphore, #tpu.memory_space<semaphore_mem>>) src(%dma_wait3A_73 : memref<80x128xf32, #tpu.memory_space<hbm>>) dst(%dma_wait3A_70 : memref<80x128xf32, #tpu.memory_space<vmem>>)
      %get3A = arith.constant 1920 : index
      %get3A_74 = tpu.vector_load %arg7[%get3A] {strides = array<i32>} : memref<2000xi32, #tpu.memory_space<vmem>>, vector<16xi32>,
      %get3A_75 = vector.shape_cast %get3A_74 : vector<16xi32> to vector<16xi32>
      %swap3A = arith.constant 0 : index
      %swap3A_76 = tpu.vector_load %arg8[%swap3A] {strides = array<i32>} : memref<80xi32, #tpu.memory_space<vmem>>, vector<16xi32>,
      %swap3A_77 = vector.shape_cast %swap3A_76 : vector<16xi32> to vector<16xi32>
      %swap3A_78 = vector.shape_cast %get3A_75 : vector<16xi32> to vector<16xi32>
      tpu.vector_store %arg8[%swap3A], %swap3A_78 {strides = array<i32>} : memref<80xi32, #tpu.memory_space<vmem>>, vector<16xi32>,
      %get3A_79 = arith.constant 1936 : index
      %get3A_80 = tpu.vector_load %arg7[%get3A_79] {strides = array<i32>} : memref<2000xi32, #tpu.memory_space<vmem>>, vector<16xi32>,
      %get3A_81 = vector.shape_cast %get3A_80 : vector<16xi32> to vector<16xi32>
      %swap3A_82 = arith.constant 16 : index
      %swap3A_83 = tpu.vector_load %arg8[%swap3A_82] {strides = array<i32>} : memref<80xi32, #tpu.memory_space<vmem>>, vector<16xi32>,
      %swap3A_84 = vector.shape_cast %swap3A_83 : vector<16xi32> to vector<16xi32>
      %swap3A_85 = vector.shape_cast %get3A_81 : vector<16xi32> to vector<16xi32>
      tpu.vector_store %arg8[%swap3A_82], %swap3A_85 {strides = array<i32>} : memref<80xi32, #tpu.memory_space<vmem>>, vector<16xi32>,
      %get3A_86 = arith.constant 1952 : index
      %get3A_87 = tpu.vector_load %arg7[%get3A_86] {strides = array<i32>} : memref<2000xi32, #tpu.memory_space<vmem>>, vector<16xi32>,
      %get3A_88 = vector.shape_cast %get3A_87 : vector<16xi32> to vector<16xi32>
      %swap3A_89 = arith.constant 32 : index
      %swap3A_90 = tpu.vector_load %arg8[%swap3A_89] {strides = array<i32>} : memref<80xi32, #tpu.memory_space<vmem>>, vector<16xi32>,
      %swap3A_91 = vector.shape_cast %swap3A_90 : vector<16xi32> to vector<16xi32>
      %swap3A_92 = vector.shape_cast %get3A_88 : vector<16xi32> to vector<16xi32>
      tpu.vector_store %arg8[%swap3A_89], %swap3A_92 {strides = array<i32>} : memref<80xi32, #tpu.memory_space<vmem>>, vector<16xi32>,
      %get3A_93 = arith.constant 1968 : index
      %get3A_94 = tpu.vector_load %arg7[%get3A_93] {strides = array<i32>} : memref<2000xi32, #tpu.memory_space<vmem>>, vector<16xi32>,
      %get3A_95 = vector.shape_cast %get3A_94 : vector<16xi32> to vector<16xi32>
      %swap3A_96 = arith.constant 48 : index
      %swap3A_97 = tpu.vector_load %arg8[%swap3A_96] {strides = array<i32>} : memref<80xi32, #tpu.memory_space<vmem>>, vector<16xi32>,
      %swap3A_98 = vector.shape_cast %swap3A_97 : vector<16xi32> to vector<16xi32>
      %swap3A_99 = vector.shape_cast %get3A_95 : vector<16xi32> to vector<16xi32>
      tpu.vector_store %arg8[%swap3A_96], %swap3A_99 {strides = array<i32>} : memref<80xi32, #tpu.memory_space<vmem>>, vector<16xi32>,
      %get3A_100 = arith.constant 1984 : index
      %get3A_101 = tpu.vector_load %arg7[%get3A_100] {strides = array<i32>} : memref<2000xi32, #tpu.memory_space<vmem>>, vector<16xi32>,
      %get3A_102 = vector.shape_cast %get3A_101 : vector<16xi32> to vector<16xi32>
      %swap3A_103 = arith.constant 64 : index
      %swap3A_104 = tpu.vector_load %arg8[%swap3A_103] {strides = array<i32>} : memref<80xi32, #tpu.memory_space<vmem>>, vector<16xi32>,
      %swap3A_105 = vector.shape_cast %swap3A_104 : vector<16xi32> to vector<16xi32>
      %swap3A_106 = vector.shape_cast %get3A_102 : vector<16xi32> to vector<16xi32>
      tpu.vector_store %arg8[%swap3A_103], %swap3A_106 {strides = array<i32>} : memref<80xi32, #tpu.memory_space<vmem>>, vector<16xi32>,
      %dma_start3A_107 = arith.constant 0 : i32
      %dma_start3A_108 = arith.constant 0 : i32
      %dma_start3A_109 = arith.constant 0 : i32
      %dma_start3A_110 = tpu.memref_slice %arg9[%dma_start3A_107, %dma_start3A_108, %dma_start3A_109] : memref<3x80x128xf32, #tpu.memory_space<vmem>> -> memref<1x80x128xf32, #tpu.memory_space<vmem>>
      %dma_start3A_111 = tpu.memref_squeeze %dma_start3A_110 : memref<1x80x128xf32, #tpu.memory_space<vmem>> -> memref<80x128xf32, #tpu.memory_space<vmem>>
      %dma_start3A_112 = arith.constant 0 : i32
      %dma_start3A_113 = arith.constant 0 : i32
      %dma_start3A_114 = tpu.memref_slice %arg5[%dma_start3A_112, %dma_start3A_113] : memref<10240x128xf32, #tpu.memory_space<vmem_shared>> -> memref<10240x128xf32, #tpu.memory_space<vmem_shared>>
      tpu.enqueue_indirect_dma source(%dma_start3A_111 : memref<80x128xf32, #tpu.memory_space<vmem>>) target(%dma_start3A_114 : memref<10240x128xf32, #tpu.memory_space<vmem_shared>>) offsets(%arg8 : memref<80xi32, #tpu.memory_space<vmem>>) semaphore(%arg11 : memref<!tpu.dma_semaphore, #tpu.memory_space<semaphore_mem>>) {add = true}
      %dma_wait3A_115 = arith.constant 0 : i32
      %dma_wait3A_116 = arith.constant 0 : i32
      %dma_wait3A_117 = arith.constant 0 : i32
      %dma_wait3A_118 = tpu.memref_slice %arg9[%dma_wait3A_115, %dma_wait3A_116, %dma_wait3A_117] : memref<3x80x128xf32, #tpu.memory_space<vmem>> -> memref<1x80x128xf32, #tpu.memory_space<vmem>>
      %dma_wait3A_119 = tpu.memref_squeeze %dma_wait3A_118 : memref<1x80x128xf32, #tpu.memory_space<vmem>> -> memref<80x128xf32, #tpu.memory_space<vmem>>
      %dma_wait3A_120 = arith.constant 0 : i32
      %dma_wait3A_121 = arith.constant 0 : i32
      %dma_wait3A_122 = tpu.memref_slice %arg5[%dma_wait3A_120, %dma_wait3A_121] : memref<10240x128xf32, #tpu.memory_space<vmem_shared>> -> memref<80x128xf32, #tpu.memory_space<vmem_shared>>
      %dma_wait3A_123 = arith.constant 0 : i32
      %dma_wait3A_124 = arith.constant 0 : i32
      %dma_wait3A_125 = tpu.memref_slice %arg5[%dma_wait3A_123, %dma_wait3A_124] : memref<10240x128xf32, #tpu.memory_space<vmem_shared>> -> memref<80x128xf32, #tpu.memory_space<vmem_shared>>
      %dma_wait3A_126 = arith.constant 0 : i32
      %dma_wait3A_127 = arith.constant 0 : i32
      %dma_wait3A_128 = tpu.memref_slice %arg9[%dma_wait3A_115, %dma_wait3A_126, %dma_wait3A_127] : memref<3x80x128xf32, #tpu.memory_space<vmem>> -> memref<1x80x128xf32, #tpu.memory_space<vmem>>
      %dma_wait3A_129 = tpu.memref_squeeze %dma_wait3A_128 : memref<1x80x128xf32, #tpu.memory_space<vmem>> -> memref<80x128xf32, #tpu.memory_space<vmem>>
      tpu.wait_dma2 semaphore(%arg11 : memref<!tpu.dma_semaphore, #tpu.memory_space<semaphore_mem>>) src(%dma_wait3A_129 : memref<80x128xf32, #tpu.memory_space<vmem>>) dst(%dma_wait3A_125 : memref<80x128xf32, #tpu.memory_space<vmem_shared>>)
      %scan3A_130 = arith.constant 0 : i32
      scf.yield %scan3A_130 : i32
    }
    %scan3A_10 = arith.constant 5 : i32
    %barrier3A_11 = arith.constant 0 : index
    tpu.barrier barrier_id(%barrier3A_11)
    "tpu.region"() ({
      %run_scoped3A = tpu.sem_alloc : memref<!tpu.dma_semaphore, #tpu.memory_space<semaphore_mem>>
      %dma_start3A = arith.constant 0 : i32
      %dma_start3A_12 = tpu.memref_slice %arg4[%arg0, %mul3A_2, %dma_start3A] : memref<2x10240x128xf32, #tpu.memory_space<hbm>> -> memref<1x640x128xf32, #tpu.memory_space<hbm>>
      %dma_start3A_13 = tpu.memref_squeeze %dma_start3A_12 : memref<1x640x128xf32, #tpu.memory_space<hbm>> -> memref<640x128xf32, #tpu.memory_space<hbm>>
      %dma_start3A_14 = arith.constant 0 : i32
      %dma_start3A_15 = tpu.memref_slice %arg5[%mul3A_2, %dma_start3A_14] : memref<10240x128xf32, #tpu.memory_space<vmem_shared>> -> memref<640x128xf32, #tpu.memory_space<vmem_shared>>
      tpu.enqueue_dma source(%dma_start3A_15 : memref<640x128xf32, #tpu.memory_space<vmem_shared>>) target(%dma_start3A_13 : memref<640x128xf32, #tpu.memory_space<hbm>>) target_semaphore(%run_scoped3A : memref<!tpu.dma_semaphore, #tpu.memory_space<semaphore_mem>>)
      %dma_wait3A = arith.constant 0 : i32
      %dma_wait3A_16 = tpu.memref_slice %arg4[%arg0, %mul3A_2, %dma_wait3A] : memref<2x10240x128xf32, #tpu.memory_space<hbm>> -> memref<1x640x128xf32, #tpu.memory_space<hbm>>
      %dma_wait3A_17 = tpu.memref_squeeze %dma_wait3A_16 : memref<1x640x128xf32, #tpu.memory_space<hbm>> -> memref<640x128xf32, #tpu.memory_space<hbm>>
      %dma_wait3A_18 = arith.constant 0 : i32
      %dma_wait3A_19 = tpu.memref_slice %arg5[%mul3A_2, %dma_wait3A_18] : memref<10240x128xf32, #tpu.memory_space<vmem_shared>> -> memref<640x128xf32, #tpu.memory_space<vmem_shared>>
      tpu.wait_dma2 semaphore(%run_scoped3A : memref<!tpu.dma_semaphore, #tpu.memory_space<semaphore_mem>>) src(%dma_wait3A_19 : memref<640x128xf32, #tpu.memory_space<vmem_shared>>) dst(%dma_wait3A_17 : memref<640x128xf32, #tpu.memory_space<hbm>>)
      tpu.yield
    }) : () -> ()
    return
  }
}

#map = affine_map<(d0, d1) -> (0)>
#map1 = affine_map<(d0, d1) -> (0, 0, 0)>
module attributes {stable_mosaic.version = 14 : i64} {
  func.func @_hist_kernel(%arg0: i32, %arg1: i32, %arg2: memref<640000xi32, #tpu.memory_space<hbm>>, %arg3: memref<8x32x1280xf32, #tpu.memory_space<hbm>>, %arg4: memref<10240xf32, #tpu.memory_space<vmem>>, %arg5: memref<2000xi32, #tpu.memory_space<vmem>>) attributes {dimension_semantics = [#tpu.dimension_semantics<core_parallel>, #tpu.dimension_semantics<subcore_parallel>], iteration_bounds = array<i64: 2, 16>, scalar_prefetch = 0 : i64, scratch_operands = 2 : i64, tpu.core_type = #tpu.core_type<sc_vector_subcore>, window_params = [{transform_indices = #map}, {transform_indices = #map1}]} {
    %mul3A = arith.constant 16 : i32
    %mul3A_0 = arith.muli %arg0, %mul3A : i32
    %add3A = arith.addi %mul3A_0, %arg1 : i32
    %scan3A = arith.constant 0 : i32
    %scan3A_1 = arith.constant 0 : i32
    %scan3A_2 = arith.constant 640 : i32
    %scan3A_3 = arith.addi %scan3A_1, %scan3A_2 : i32
    %scan3A_4 = arith.constant 1 : i32
    %scan3A_5 = scf.for %scan3A_22 = %scan3A_1 to %scan3A_3 step %scan3A_4 iter_args(%scan3A_23 = %scan3A) -> (i32)  : i32 {
      %broadcast_in_dim3A_24 = arith.constant 0.000000e+00 : f32
      %broadcast_in_dim3A_25 = vector.broadcast %broadcast_in_dim3A_24 : f32 to vector<16xf32>
      %mul3A_26 = arith.constant 16 : i32
      %mul3A_27 = arith.muli %scan3A_22, %mul3A_26 : i32
      %swap3A = arith.index_cast %mul3A_27 : i32 to index
      %swap3A_28 = tpu.vector_load %arg4[%swap3A] {strides = array<i32>} : memref<10240xf32, #tpu.memory_space<vmem>>, vector<16xf32>,
      tpu.vector_store %arg4[%swap3A], %broadcast_in_dim3A_25 {strides = array<i32>} : memref<10240xf32, #tpu.memory_space<vmem>>, vector<16xf32>,
      %scan3A_29 = arith.constant 0 : i32
      scf.yield %scan3A_29 : i32
    }
    %scan3A_6 = arith.constant 640 : i32
    %broadcast_in_dim3A = arith.constant 1.000000e+00 : f32
    %broadcast_in_dim3A_7 = vector.broadcast %broadcast_in_dim3A : f32 to vector<16xf32>
    %scan3A_8 = arith.constant 0 : i32
    %scan3A_9 = arith.constant 0 : i32
    %scan3A_10 = arith.constant 5 : i32
    %scan3A_11 = arith.addi %scan3A_9, %scan3A_10 : i32
    %scan3A_12 = arith.constant 1 : i32
    %scan3A_13 = scf.for %scan3A_22 = %scan3A_9 to %scan3A_11 step %scan3A_12 iter_args(%scan3A_23 = %scan3A_8) -> (i32)  : i32 {
      %mul3A_24 = arith.constant 10000 : i32
      %mul3A_25 = arith.muli %add3A, %mul3A_24 : i32
      %add3A_26 = arith.constant 320000 : i32
      %add3A_27 = arith.addi %add3A_26, %mul3A_25 : i32
      %mul3A_28 = arith.constant 2000 : i32
      %mul3A_29 = arith.muli %scan3A_22, %mul3A_28 : i32
      %add3A_30 = arith.addi %add3A_27, %mul3A_29 : i32
      "tpu.region"() ({
        %run_scoped3A_39 = tpu.sem_alloc : memref<!tpu.dma_semaphore, #tpu.memory_space<semaphore_mem>>
        %dma_start3A = tpu.memref_slice %arg2[%add3A_30] : memref<640000xi32, #tpu.memory_space<hbm>> -> memref<2000xi32, #tpu.memory_space<hbm>>
        %dma_start3A_40 = tpu.memref_slice %arg2[%add3A_30] : memref<640000xi32, #tpu.memory_space<hbm>> -> memref<2000xi32, #tpu.memory_space<hbm>>
        tpu.enqueue_dma source(%dma_start3A_40 : memref<2000xi32, #tpu.memory_space<hbm>>) target(%arg5 : memref<2000xi32, #tpu.memory_space<vmem>>) target_semaphore(%run_scoped3A_39 : memref<!tpu.dma_semaphore, #tpu.memory_space<semaphore_mem>>)
        %dma_wait3A = tpu.memref_slice %arg2[%add3A_30] : memref<640000xi32, #tpu.memory_space<hbm>> -> memref<2000xi32, #tpu.memory_space<hbm>>
        %dma_wait3A_41 = tpu.memref_slice %arg2[%add3A_30] : memref<640000xi32, #tpu.memory_space<hbm>> -> memref<2000xi32, #tpu.memory_space<hbm>>
        tpu.wait_dma2 semaphore(%run_scoped3A_39 : memref<!tpu.dma_semaphore, #tpu.memory_space<semaphore_mem>>) src(%dma_wait3A_41 : memref<2000xi32, #tpu.memory_space<hbm>>) dst(%arg5 : memref<2000xi32, #tpu.memory_space<vmem>>)
        tpu.yield
      }) : () -> ()
      %scan3A_31 = arith.constant 0 : i32
      %scan3A_32 = arith.constant 0 : i32
      %scan3A_33 = arith.constant 125 : i32
      %scan3A_34 = arith.addi %scan3A_32, %scan3A_33 : i32
      %scan3A_35 = arith.constant 1 : i32
      %scan3A_36 = scf.for %scan3A_39 = %scan3A_32 to %scan3A_34 step %scan3A_35 iter_args(%scan3A_40 = %scan3A_31) -> (i32)  : i32 {
        %mul3A_41 = arith.constant 16 : i32
        %mul3A_42 = arith.muli %scan3A_39, %mul3A_41 : i32
        %get3A = arith.index_cast %mul3A_42 : i32 to index
        %get3A_43 = tpu.vector_load %arg5[%get3A] {strides = array<i32>} : memref<2000xi32, #tpu.memory_space<vmem>>, vector<16xi32>,
        tpu.vector_store_idx %arg4[%get3A_43], %broadcast_in_dim3A_7 {add = true} : memref<10240xf32, #tpu.memory_space<vmem>>[vector<16xi32>], vector<16xf32>,
        %scan3A_44 = arith.constant 0 : i32
        scf.yield %scan3A_44 : i32
      }
      %scan3A_37 = arith.constant 125 : i32
      %scan3A_38 = arith.constant 0 : i32
      scf.yield %scan3A_38 : i32
    }
    %scan3A_14 = arith.constant 5 : i32
    %run_scoped3A = arith.constant 0 : i32
    "tpu.region"() ({
      %run_scoped3A_22 = tpu.sem_alloc : memref<!tpu.dma_semaphore, #tpu.memory_space<semaphore_mem>>
      %dma_start3A = arith.constant 0 : i32
      %dma_start3A_23 = tpu.memref_slice %arg4[%dma_start3A] : memref<10240xf32, #tpu.memory_space<vmem>> -> memref<1280xf32, #tpu.memory_space<vmem>>
      %dma_start3A_24 = arith.constant 0 : i32
      %dma_start3A_25 = tpu.memref_slice %arg3[%run_scoped3A, %add3A, %dma_start3A_24] : memref<8x32x1280xf32, #tpu.memory_space<hbm>> -> memref<1x1x1280xf32, #tpu.memory_space<hbm>>
      %dma_start3A_26 = tpu.memref_squeeze %dma_start3A_25 : memref<1x1x1280xf32, #tpu.memory_space<hbm>> -> memref<1280xf32, #tpu.memory_space<hbm>>
      %dma_start3A_27 = arith.constant 0 : i32
      %dma_start3A_28 = tpu.memref_slice %arg3[%run_scoped3A, %add3A, %dma_start3A_27] : memref<8x32x1280xf32, #tpu.memory_space<hbm>> -> memref<1x1x1280xf32, #tpu.memory_space<hbm>>
      %dma_start3A_29 = tpu.memref_squeeze %dma_start3A_28 : memref<1x1x1280xf32, #tpu.memory_space<hbm>> -> memref<1280xf32, #tpu.memory_space<hbm>>
      %dma_start3A_30 = arith.constant 0 : i32
      %dma_start3A_31 = tpu.memref_slice %arg4[%dma_start3A_30] : memref<10240xf32, #tpu.memory_space<vmem>> -> memref<1280xf32, #tpu.memory_space<vmem>>
      tpu.enqueue_dma source(%dma_start3A_31 : memref<1280xf32, #tpu.memory_space<vmem>>) target(%dma_start3A_29 : memref<1280xf32, #tpu.memory_space<hbm>>) target_semaphore(%run_scoped3A_22 : memref<!tpu.dma_semaphore, #tpu.memory_space<semaphore_mem>>)
      %dma_wait3A = arith.constant 0 : i32
      %dma_wait3A_32 = tpu.memref_slice %arg4[%dma_wait3A] : memref<10240xf32, #tpu.memory_space<vmem>> -> memref<1280xf32, #tpu.memory_space<vmem>>
      %dma_wait3A_33 = arith.constant 0 : i32
      %dma_wait3A_34 = tpu.memref_slice %arg3[%run_scoped3A, %add3A, %dma_wait3A_33] : memref<8x32x1280xf32, #tpu.memory_space<hbm>> -> memref<1x1x1280xf32, #tpu.memory_space<hbm>>
      %dma_wait3A_35 = tpu.memref_squeeze %dma_wait3A_34 : memref<1x1x1280xf32, #tpu.memory_space<hbm>> -> memref<1280xf32, #tpu.memory_space<hbm>>
      %dma_wait3A_36 = arith.constant 0 : i32
      %dma_wait3A_37 = tpu.memref_slice %arg3[%run_scoped3A, %add3A, %dma_wait3A_36] : memref<8x32x1280xf32, #tpu.memory_space<hbm>> -> memref<1x1x1280xf32, #tpu.memory_space<hbm>>
      %dma_wait3A_38 = tpu.memref_squeeze %dma_wait3A_37 : memref<1x1x1280xf32, #tpu.memory_space<hbm>> -> memref<1280xf32, #tpu.memory_space<hbm>>
      %dma_wait3A_39 = arith.constant 0 : i32
      %dma_wait3A_40 = tpu.memref_slice %arg4[%dma_wait3A_39] : memref<10240xf32, #tpu.memory_space<vmem>> -> memref<1280xf32, #tpu.memory_space<vmem>>
      tpu.wait_dma2 semaphore(%run_scoped3A_22 : memref<!tpu.dma_semaphore, #tpu.memory_space<semaphore_mem>>) src(%dma_wait3A_40 : memref<1280xf32, #tpu.memory_space<vmem>>) dst(%dma_wait3A_38 : memref<1280xf32, #tpu.memory_space<hbm>>)
      tpu.yield
    }) : () -> ()
    %run_scoped3A_15 = arith.constant 1 : i32
    "tpu.region"() ({
      %run_scoped3A_22 = tpu.sem_alloc : memref<!tpu.dma_semaphore, #tpu.memory_space<semaphore_mem>>
      %dma_start3A = arith.constant 1280 : i32
      %dma_start3A_23 = tpu.memref_slice %arg4[%dma_start3A] : memref<10240xf32, #tpu.memory_space<vmem>> -> memref<1280xf32, #tpu.memory_space<vmem>>
      %dma_start3A_24 = arith.constant 0 : i32
      %dma_start3A_25 = tpu.memref_slice %arg3[%run_scoped3A_15, %add3A, %dma_start3A_24] : memref<8x32x1280xf32, #tpu.memory_space<hbm>> -> memref<1x1x1280xf32, #tpu.memory_space<hbm>>
      %dma_start3A_26 = tpu.memref_squeeze %dma_start3A_25 : memref<1x1x1280xf32, #tpu.memory_space<hbm>> -> memref<1280xf32, #tpu.memory_space<hbm>>
      %dma_start3A_27 = arith.constant 0 : i32
      %dma_start3A_28 = tpu.memref_slice %arg3[%run_scoped3A_15, %add3A, %dma_start3A_27] : memref<8x32x1280xf32, #tpu.memory_space<hbm>> -> memref<1x1x1280xf32, #tpu.memory_space<hbm>>
      %dma_start3A_29 = tpu.memref_squeeze %dma_start3A_28 : memref<1x1x1280xf32, #tpu.memory_space<hbm>> -> memref<1280xf32, #tpu.memory_space<hbm>>
      %dma_start3A_30 = arith.constant 1280 : i32
      %dma_start3A_31 = tpu.memref_slice %arg4[%dma_start3A_30] : memref<10240xf32, #tpu.memory_space<vmem>> -> memref<1280xf32, #tpu.memory_space<vmem>>
      tpu.enqueue_dma source(%dma_start3A_31 : memref<1280xf32, #tpu.memory_space<vmem>>) target(%dma_start3A_29 : memref<1280xf32, #tpu.memory_space<hbm>>) target_semaphore(%run_scoped3A_22 : memref<!tpu.dma_semaphore, #tpu.memory_space<semaphore_mem>>)
      %dma_wait3A = arith.constant 1280 : i32
      %dma_wait3A_32 = tpu.memref_slice %arg4[%dma_wait3A] : memref<10240xf32, #tpu.memory_space<vmem>> -> memref<1280xf32, #tpu.memory_space<vmem>>
      %dma_wait3A_33 = arith.constant 0 : i32
      %dma_wait3A_34 = tpu.memref_slice %arg3[%run_scoped3A_15, %add3A, %dma_wait3A_33] : memref<8x32x1280xf32, #tpu.memory_space<hbm>> -> memref<1x1x1280xf32, #tpu.memory_space<hbm>>
      %dma_wait3A_35 = tpu.memref_squeeze %dma_wait3A_34 : memref<1x1x1280xf32, #tpu.memory_space<hbm>> -> memref<1280xf32, #tpu.memory_space<hbm>>
      %dma_wait3A_36 = arith.constant 0 : i32
      %dma_wait3A_37 = tpu.memref_slice %arg3[%run_scoped3A_15, %add3A, %dma_wait3A_36] : memref<8x32x1280xf32, #tpu.memory_space<hbm>> -> memref<1x1x1280xf32, #tpu.memory_space<hbm>>
      %dma_wait3A_38 = tpu.memref_squeeze %dma_wait3A_37 : memref<1x1x1280xf32, #tpu.memory_space<hbm>> -> memref<1280xf32, #tpu.memory_space<hbm>>
      %dma_wait3A_39 = arith.constant 1280 : i32
      %dma_wait3A_40 = tpu.memref_slice %arg4[%dma_wait3A_39] : memref<10240xf32, #tpu.memory_space<vmem>> -> memref<1280xf32, #tpu.memory_space<vmem>>
      tpu.wait_dma2 semaphore(%run_scoped3A_22 : memref<!tpu.dma_semaphore, #tpu.memory_space<semaphore_mem>>) src(%dma_wait3A_40 : memref<1280xf32, #tpu.memory_space<vmem>>) dst(%dma_wait3A_38 : memref<1280xf32, #tpu.memory_space<hbm>>)
      tpu.yield
    }) : () -> ()
    %run_scoped3A_16 = arith.constant 2 : i32
    "tpu.region"() ({
      %run_scoped3A_22 = tpu.sem_alloc : memref<!tpu.dma_semaphore, #tpu.memory_space<semaphore_mem>>
      %dma_start3A = arith.constant 2560 : i32
      %dma_start3A_23 = tpu.memref_slice %arg4[%dma_start3A] : memref<10240xf32, #tpu.memory_space<vmem>> -> memref<1280xf32, #tpu.memory_space<vmem>>
      %dma_start3A_24 = arith.constant 0 : i32
      %dma_start3A_25 = tpu.memref_slice %arg3[%run_scoped3A_16, %add3A, %dma_start3A_24] : memref<8x32x1280xf32, #tpu.memory_space<hbm>> -> memref<1x1x1280xf32, #tpu.memory_space<hbm>>
      %dma_start3A_26 = tpu.memref_squeeze %dma_start3A_25 : memref<1x1x1280xf32, #tpu.memory_space<hbm>> -> memref<1280xf32, #tpu.memory_space<hbm>>
      %dma_start3A_27 = arith.constant 0 : i32
      %dma_start3A_28 = tpu.memref_slice %arg3[%run_scoped3A_16, %add3A, %dma_start3A_27] : memref<8x32x1280xf32, #tpu.memory_space<hbm>> -> memref<1x1x1280xf32, #tpu.memory_space<hbm>>
      %dma_start3A_29 = tpu.memref_squeeze %dma_start3A_28 : memref<1x1x1280xf32, #tpu.memory_space<hbm>> -> memref<1280xf32, #tpu.memory_space<hbm>>
      %dma_start3A_30 = arith.constant 2560 : i32
      %dma_start3A_31 = tpu.memref_slice %arg4[%dma_start3A_30] : memref<10240xf32, #tpu.memory_space<vmem>> -> memref<1280xf32, #tpu.memory_space<vmem>>
      tpu.enqueue_dma source(%dma_start3A_31 : memref<1280xf32, #tpu.memory_space<vmem>>) target(%dma_start3A_29 : memref<1280xf32, #tpu.memory_space<hbm>>) target_semaphore(%run_scoped3A_22 : memref<!tpu.dma_semaphore, #tpu.memory_space<semaphore_mem>>)
      %dma_wait3A = arith.constant 2560 : i32
      %dma_wait3A_32 = tpu.memref_slice %arg4[%dma_wait3A] : memref<10240xf32, #tpu.memory_space<vmem>> -> memref<1280xf32, #tpu.memory_space<vmem>>
      %dma_wait3A_33 = arith.constant 0 : i32
      %dma_wait3A_34 = tpu.memref_slice %arg3[%run_scoped3A_16, %add3A, %dma_wait3A_33] : memref<8x32x1280xf32, #tpu.memory_space<hbm>> -> memref<1x1x1280xf32, #tpu.memory_space<hbm>>
      %dma_wait3A_35 = tpu.memref_squeeze %dma_wait3A_34 : memref<1x1x1280xf32, #tpu.memory_space<hbm>> -> memref<1280xf32, #tpu.memory_space<hbm>>
      %dma_wait3A_36 = arith.constant 0 : i32
      %dma_wait3A_37 = tpu.memref_slice %arg3[%run_scoped3A_16, %add3A, %dma_wait3A_36] : memref<8x32x1280xf32, #tpu.memory_space<hbm>> -> memref<1x1x1280xf32, #tpu.memory_space<hbm>>
      %dma_wait3A_38 = tpu.memref_squeeze %dma_wait3A_37 : memref<1x1x1280xf32, #tpu.memory_space<hbm>> -> memref<1280xf32, #tpu.memory_space<hbm>>
      %dma_wait3A_39 = arith.constant 2560 : i32
      %dma_wait3A_40 = tpu.memref_slice %arg4[%dma_wait3A_39] : memref<10240xf32, #tpu.memory_space<vmem>> -> memref<1280xf32, #tpu.memory_space<vmem>>
      tpu.wait_dma2 semaphore(%run_scoped3A_22 : memref<!tpu.dma_semaphore, #tpu.memory_space<semaphore_mem>>) src(%dma_wait3A_40 : memref<1280xf32, #tpu.memory_space<vmem>>) dst(%dma_wait3A_38 : memref<1280xf32, #tpu.memory_space<hbm>>)
      tpu.yield
    }) : () -> ()
    %run_scoped3A_17 = arith.constant 3 : i32
    "tpu.region"() ({
      %run_scoped3A_22 = tpu.sem_alloc : memref<!tpu.dma_semaphore, #tpu.memory_space<semaphore_mem>>
      %dma_start3A = arith.constant 3840 : i32
      %dma_start3A_23 = tpu.memref_slice %arg4[%dma_start3A] : memref<10240xf32, #tpu.memory_space<vmem>> -> memref<1280xf32, #tpu.memory_space<vmem>>
      %dma_start3A_24 = arith.constant 0 : i32
      %dma_start3A_25 = tpu.memref_slice %arg3[%run_scoped3A_17, %add3A, %dma_start3A_24] : memref<8x32x1280xf32, #tpu.memory_space<hbm>> -> memref<1x1x1280xf32, #tpu.memory_space<hbm>>
      %dma_start3A_26 = tpu.memref_squeeze %dma_start3A_25 : memref<1x1x1280xf32, #tpu.memory_space<hbm>> -> memref<1280xf32, #tpu.memory_space<hbm>>
      %dma_start3A_27 = arith.constant 0 : i32
      %dma_start3A_28 = tpu.memref_slice %arg3[%run_scoped3A_17, %add3A, %dma_start3A_27] : memref<8x32x1280xf32, #tpu.memory_space<hbm>> -> memref<1x1x1280xf32, #tpu.memory_space<hbm>>
      %dma_start3A_29 = tpu.memref_squeeze %dma_start3A_28 : memref<1x1x1280xf32, #tpu.memory_space<hbm>> -> memref<1280xf32, #tpu.memory_space<hbm>>
      %dma_start3A_30 = arith.constant 3840 : i32
      %dma_start3A_31 = tpu.memref_slice %arg4[%dma_start3A_30] : memref<10240xf32, #tpu.memory_space<vmem>> -> memref<1280xf32, #tpu.memory_space<vmem>>
      tpu.enqueue_dma source(%dma_start3A_31 : memref<1280xf32, #tpu.memory_space<vmem>>) target(%dma_start3A_29 : memref<1280xf32, #tpu.memory_space<hbm>>) target_semaphore(%run_scoped3A_22 : memref<!tpu.dma_semaphore, #tpu.memory_space<semaphore_mem>>)
      %dma_wait3A = arith.constant 3840 : i32
      %dma_wait3A_32 = tpu.memref_slice %arg4[%dma_wait3A] : memref<10240xf32, #tpu.memory_space<vmem>> -> memref<1280xf32, #tpu.memory_space<vmem>>
      %dma_wait3A_33 = arith.constant 0 : i32
      %dma_wait3A_34 = tpu.memref_slice %arg3[%run_scoped3A_17, %add3A, %dma_wait3A_33] : memref<8x32x1280xf32, #tpu.memory_space<hbm>> -> memref<1x1x1280xf32, #tpu.memory_space<hbm>>
      %dma_wait3A_35 = tpu.memref_squeeze %dma_wait3A_34 : memref<1x1x1280xf32, #tpu.memory_space<hbm>> -> memref<1280xf32, #tpu.memory_space<hbm>>
      %dma_wait3A_36 = arith.constant 0 : i32
      %dma_wait3A_37 = tpu.memref_slice %arg3[%run_scoped3A_17, %add3A, %dma_wait3A_36] : memref<8x32x1280xf32, #tpu.memory_space<hbm>> -> memref<1x1x1280xf32, #tpu.memory_space<hbm>>
      %dma_wait3A_38 = tpu.memref_squeeze %dma_wait3A_37 : memref<1x1x1280xf32, #tpu.memory_space<hbm>> -> memref<1280xf32, #tpu.memory_space<hbm>>
      %dma_wait3A_39 = arith.constant 3840 : i32
      %dma_wait3A_40 = tpu.memref_slice %arg4[%dma_wait3A_39] : memref<10240xf32, #tpu.memory_space<vmem>> -> memref<1280xf32, #tpu.memory_space<vmem>>
      tpu.wait_dma2 semaphore(%run_scoped3A_22 : memref<!tpu.dma_semaphore, #tpu.memory_space<semaphore_mem>>) src(%dma_wait3A_40 : memref<1280xf32, #tpu.memory_space<vmem>>) dst(%dma_wait3A_38 : memref<1280xf32, #tpu.memory_space<hbm>>)
      tpu.yield
    }) : () -> ()
    %run_scoped3A_18 = arith.constant 4 : i32
    "tpu.region"() ({
      %run_scoped3A_22 = tpu.sem_alloc : memref<!tpu.dma_semaphore, #tpu.memory_space<semaphore_mem>>
      %dma_start3A = arith.constant 5120 : i32
      %dma_start3A_23 = tpu.memref_slice %arg4[%dma_start3A] : memref<10240xf32, #tpu.memory_space<vmem>> -> memref<1280xf32, #tpu.memory_space<vmem>>
      %dma_start3A_24 = arith.constant 0 : i32
      %dma_start3A_25 = tpu.memref_slice %arg3[%run_scoped3A_18, %add3A, %dma_start3A_24] : memref<8x32x1280xf32, #tpu.memory_space<hbm>> -> memref<1x1x1280xf32, #tpu.memory_space<hbm>>
      %dma_start3A_26 = tpu.memref_squeeze %dma_start3A_25 : memref<1x1x1280xf32, #tpu.memory_space<hbm>> -> memref<1280xf32, #tpu.memory_space<hbm>>
      %dma_start3A_27 = arith.constant 0 : i32
      %dma_start3A_28 = tpu.memref_slice %arg3[%run_scoped3A_18, %add3A, %dma_start3A_27] : memref<8x32x1280xf32, #tpu.memory_space<hbm>> -> memref<1x1x1280xf32, #tpu.memory_space<hbm>>
      %dma_start3A_29 = tpu.memref_squeeze %dma_start3A_28 : memref<1x1x1280xf32, #tpu.memory_space<hbm>> -> memref<1280xf32, #tpu.memory_space<hbm>>
      %dma_start3A_30 = arith.constant 5120 : i32
      %dma_start3A_31 = tpu.memref_slice %arg4[%dma_start3A_30] : memref<10240xf32, #tpu.memory_space<vmem>> -> memref<1280xf32, #tpu.memory_space<vmem>>
      tpu.enqueue_dma source(%dma_start3A_31 : memref<1280xf32, #tpu.memory_space<vmem>>) target(%dma_start3A_29 : memref<1280xf32, #tpu.memory_space<hbm>>) target_semaphore(%run_scoped3A_22 : memref<!tpu.dma_semaphore, #tpu.memory_space<semaphore_mem>>)
      %dma_wait3A = arith.constant 5120 : i32
      %dma_wait3A_32 = tpu.memref_slice %arg4[%dma_wait3A] : memref<10240xf32, #tpu.memory_space<vmem>> -> memref<1280xf32, #tpu.memory_space<vmem>>
      %dma_wait3A_33 = arith.constant 0 : i32
      %dma_wait3A_34 = tpu.memref_slice %arg3[%run_scoped3A_18, %add3A, %dma_wait3A_33] : memref<8x32x1280xf32, #tpu.memory_space<hbm>> -> memref<1x1x1280xf32, #tpu.memory_space<hbm>>
      %dma_wait3A_35 = tpu.memref_squeeze %dma_wait3A_34 : memref<1x1x1280xf32, #tpu.memory_space<hbm>> -> memref<1280xf32, #tpu.memory_space<hbm>>
      %dma_wait3A_36 = arith.constant 0 : i32
      %dma_wait3A_37 = tpu.memref_slice %arg3[%run_scoped3A_18, %add3A, %dma_wait3A_36] : memref<8x32x1280xf32, #tpu.memory_space<hbm>> -> memref<1x1x1280xf32, #tpu.memory_space<hbm>>
      %dma_wait3A_38 = tpu.memref_squeeze %dma_wait3A_37 : memref<1x1x1280xf32, #tpu.memory_space<hbm>> -> memref<1280xf32, #tpu.memory_space<hbm>>
      %dma_wait3A_39 = arith.constant 5120 : i32
      %dma_wait3A_40 = tpu.memref_slice %arg4[%dma_wait3A_39] : memref<10240xf32, #tpu.memory_space<vmem>> -> memref<1280xf32, #tpu.memory_space<vmem>>
      tpu.wait_dma2 semaphore(%run_scoped3A_22 : memref<!tpu.dma_semaphore, #tpu.memory_space<semaphore_mem>>) src(%dma_wait3A_40 : memref<1280xf32, #tpu.memory_space<vmem>>) dst(%dma_wait3A_38 : memref<1280xf32, #tpu.memory_space<hbm>>)
      tpu.yield
    }) : () -> ()
    %run_scoped3A_19 = arith.constant 5 : i32
    "tpu.region"() ({
      %run_scoped3A_22 = tpu.sem_alloc : memref<!tpu.dma_semaphore, #tpu.memory_space<semaphore_mem>>
      %dma_start3A = arith.constant 6400 : i32
      %dma_start3A_23 = tpu.memref_slice %arg4[%dma_start3A] : memref<10240xf32, #tpu.memory_space<vmem>> -> memref<1280xf32, #tpu.memory_space<vmem>>
      %dma_start3A_24 = arith.constant 0 : i32
      %dma_start3A_25 = tpu.memref_slice %arg3[%run_scoped3A_19, %add3A, %dma_start3A_24] : memref<8x32x1280xf32, #tpu.memory_space<hbm>> -> memref<1x1x1280xf32, #tpu.memory_space<hbm>>
      %dma_start3A_26 = tpu.memref_squeeze %dma_start3A_25 : memref<1x1x1280xf32, #tpu.memory_space<hbm>> -> memref<1280xf32, #tpu.memory_space<hbm>>
      %dma_start3A_27 = arith.constant 0 : i32
      %dma_start3A_28 = tpu.memref_slice %arg3[%run_scoped3A_19, %add3A, %dma_start3A_27] : memref<8x32x1280xf32, #tpu.memory_space<hbm>> -> memref<1x1x1280xf32, #tpu.memory_space<hbm>>
      %dma_start3A_29 = tpu.memref_squeeze %dma_start3A_28 : memref<1x1x1280xf32, #tpu.memory_space<hbm>> -> memref<1280xf32, #tpu.memory_space<hbm>>
      %dma_start3A_30 = arith.constant 6400 : i32
      %dma_start3A_31 = tpu.memref_slice %arg4[%dma_start3A_30] : memref<10240xf32, #tpu.memory_space<vmem>> -> memref<1280xf32, #tpu.memory_space<vmem>>
      tpu.enqueue_dma source(%dma_start3A_31 : memref<1280xf32, #tpu.memory_space<vmem>>) target(%dma_start3A_29 : memref<1280xf32, #tpu.memory_space<hbm>>) target_semaphore(%run_scoped3A_22 : memref<!tpu.dma_semaphore, #tpu.memory_space<semaphore_mem>>)
      %dma_wait3A = arith.constant 6400 : i32
      %dma_wait3A_32 = tpu.memref_slice %arg4[%dma_wait3A] : memref<10240xf32, #tpu.memory_space<vmem>> -> memref<1280xf32, #tpu.memory_space<vmem>>
      %dma_wait3A_33 = arith.constant 0 : i32
      %dma_wait3A_34 = tpu.memref_slice %arg3[%run_scoped3A_19, %add3A, %dma_wait3A_33] : memref<8x32x1280xf32, #tpu.memory_space<hbm>> -> memref<1x1x1280xf32, #tpu.memory_space<hbm>>
      %dma_wait3A_35 = tpu.memref_squeeze %dma_wait3A_34 : memref<1x1x1280xf32, #tpu.memory_space<hbm>> -> memref<1280xf32, #tpu.memory_space<hbm>>
      %dma_wait3A_36 = arith.constant 0 : i32
      %dma_wait3A_37 = tpu.memref_slice %arg3[%run_scoped3A_19, %add3A, %dma_wait3A_36] : memref<8x32x1280xf32, #tpu.memory_space<hbm>> -> memref<1x1x1280xf32, #tpu.memory_space<hbm>>
      %dma_wait3A_38 = tpu.memref_squeeze %dma_wait3A_37 : memref<1x1x1280xf32, #tpu.memory_space<hbm>> -> memref<1280xf32, #tpu.memory_space<hbm>>
      %dma_wait3A_39 = arith.constant 6400 : i32
      %dma_wait3A_40 = tpu.memref_slice %arg4[%dma_wait3A_39] : memref<10240xf32, #tpu.memory_space<vmem>> -> memref<1280xf32, #tpu.memory_space<vmem>>
      tpu.wait_dma2 semaphore(%run_scoped3A_22 : memref<!tpu.dma_semaphore, #tpu.memory_space<semaphore_mem>>) src(%dma_wait3A_40 : memref<1280xf32, #tpu.memory_space<vmem>>) dst(%dma_wait3A_38 : memref<1280xf32, #tpu.memory_space<hbm>>)
      tpu.yield
    }) : () -> ()
    %run_scoped3A_20 = arith.constant 6 : i32
    "tpu.region"() ({
      %run_scoped3A_22 = tpu.sem_alloc : memref<!tpu.dma_semaphore, #tpu.memory_space<semaphore_mem>>
      %dma_start3A = arith.constant 7680 : i32
      %dma_start3A_23 = tpu.memref_slice %arg4[%dma_start3A] : memref<10240xf32, #tpu.memory_space<vmem>> -> memref<1280xf32, #tpu.memory_space<vmem>>
      %dma_start3A_24 = arith.constant 0 : i32
      %dma_start3A_25 = tpu.memref_slice %arg3[%run_scoped3A_20, %add3A, %dma_start3A_24] : memref<8x32x1280xf32, #tpu.memory_space<hbm>> -> memref<1x1x1280xf32, #tpu.memory_space<hbm>>
      %dma_start3A_26 = tpu.memref_squeeze %dma_start3A_25 : memref<1x1x1280xf32, #tpu.memory_space<hbm>> -> memref<1280xf32, #tpu.memory_space<hbm>>
      %dma_start3A_27 = arith.constant 0 : i32
      %dma_start3A_28 = tpu.memref_slice %arg3[%run_scoped3A_20, %add3A, %dma_start3A_27] : memref<8x32x1280xf32, #tpu.memory_space<hbm>> -> memref<1x1x1280xf32, #tpu.memory_space<hbm>>
      %dma_start3A_29 = tpu.memref_squeeze %dma_start3A_28 : memref<1x1x1280xf32, #tpu.memory_space<hbm>> -> memref<1280xf32, #tpu.memory_space<hbm>>
      %dma_start3A_30 = arith.constant 7680 : i32
      %dma_start3A_31 = tpu.memref_slice %arg4[%dma_start3A_30] : memref<10240xf32, #tpu.memory_space<vmem>> -> memref<1280xf32, #tpu.memory_space<vmem>>
      tpu.enqueue_dma source(%dma_start3A_31 : memref<1280xf32, #tpu.memory_space<vmem>>) target(%dma_start3A_29 : memref<1280xf32, #tpu.memory_space<hbm>>) target_semaphore(%run_scoped3A_22 : memref<!tpu.dma_semaphore, #tpu.memory_space<semaphore_mem>>)
      %dma_wait3A = arith.constant 7680 : i32
      %dma_wait3A_32 = tpu.memref_slice %arg4[%dma_wait3A] : memref<10240xf32, #tpu.memory_space<vmem>> -> memref<1280xf32, #tpu.memory_space<vmem>>
      %dma_wait3A_33 = arith.constant 0 : i32
      %dma_wait3A_34 = tpu.memref_slice %arg3[%run_scoped3A_20, %add3A, %dma_wait3A_33] : memref<8x32x1280xf32, #tpu.memory_space<hbm>> -> memref<1x1x1280xf32, #tpu.memory_space<hbm>>
      %dma_wait3A_35 = tpu.memref_squeeze %dma_wait3A_34 : memref<1x1x1280xf32, #tpu.memory_space<hbm>> -> memref<1280xf32, #tpu.memory_space<hbm>>
      %dma_wait3A_36 = arith.constant 0 : i32
      %dma_wait3A_37 = tpu.memref_slice %arg3[%run_scoped3A_20, %add3A, %dma_wait3A_36] : memref<8x32x1280xf32, #tpu.memory_space<hbm>> -> memref<1x1x1280xf32, #tpu.memory_space<hbm>>
      %dma_wait3A_38 = tpu.memref_squeeze %dma_wait3A_37 : memref<1x1x1280xf32, #tpu.memory_space<hbm>> -> memref<1280xf32, #tpu.memory_space<hbm>>
      %dma_wait3A_39 = arith.constant 7680 : i32
      %dma_wait3A_40 = tpu.memref_slice %arg4[%dma_wait3A_39] : memref<10240xf32, #tpu.memory_space<vmem>> -> memref<1280xf32, #tpu.memory_space<vmem>>
      tpu.wait_dma2 semaphore(%run_scoped3A_22 : memref<!tpu.dma_semaphore, #tpu.memory_space<semaphore_mem>>) src(%dma_wait3A_40 : memref<1280xf32, #tpu.memory_space<vmem>>) dst(%dma_wait3A_38 : memref<1280xf32, #tpu.memory_space<hbm>>)
      tpu.yield
    }) : () -> ()
    %run_scoped3A_21 = arith.constant 7 : i32
    "tpu.region"() ({
      %run_scoped3A_22 = tpu.sem_alloc : memref<!tpu.dma_semaphore, #tpu.memory_space<semaphore_mem>>
      %dma_start3A = arith.constant 8960 : i32
      %dma_start3A_23 = tpu.memref_slice %arg4[%dma_start3A] : memref<10240xf32, #tpu.memory_space<vmem>> -> memref<1280xf32, #tpu.memory_space<vmem>>
      %dma_start3A_24 = arith.constant 0 : i32
      %dma_start3A_25 = tpu.memref_slice %arg3[%run_scoped3A_21, %add3A, %dma_start3A_24] : memref<8x32x1280xf32, #tpu.memory_space<hbm>> -> memref<1x1x1280xf32, #tpu.memory_space<hbm>>
      %dma_start3A_26 = tpu.memref_squeeze %dma_start3A_25 : memref<1x1x1280xf32, #tpu.memory_space<hbm>> -> memref<1280xf32, #tpu.memory_space<hbm>>
      %dma_start3A_27 = arith.constant 0 : i32
      %dma_start3A_28 = tpu.memref_slice %arg3[%run_scoped3A_21, %add3A, %dma_start3A_27] : memref<8x32x1280xf32, #tpu.memory_space<hbm>> -> memref<1x1x1280xf32, #tpu.memory_space<hbm>>
      %dma_start3A_29 = tpu.memref_squeeze %dma_start3A_28 : memref<1x1x1280xf32, #tpu.memory_space<hbm>> -> memref<1280xf32, #tpu.memory_space<hbm>>
      %dma_start3A_30 = arith.constant 8960 : i32
      %dma_start3A_31 = tpu.memref_slice %arg4[%dma_start3A_30] : memref<10240xf32, #tpu.memory_space<vmem>> -> memref<1280xf32, #tpu.memory_space<vmem>>
      tpu.enqueue_dma source(%dma_start3A_31 : memref<1280xf32, #tpu.memory_space<vmem>>) target(%dma_start3A_29 : memref<1280xf32, #tpu.memory_space<hbm>>) target_semaphore(%run_scoped3A_22 : memref<!tpu.dma_semaphore, #tpu.memory_space<semaphore_mem>>)
      %dma_wait3A = arith.constant 8960 : i32
      %dma_wait3A_32 = tpu.memref_slice %arg4[%dma_wait3A] : memref<10240xf32, #tpu.memory_space<vmem>> -> memref<1280xf32, #tpu.memory_space<vmem>>
      %dma_wait3A_33 = arith.constant 0 : i32
      %dma_wait3A_34 = tpu.memref_slice %arg3[%run_scoped3A_21, %add3A, %dma_wait3A_33] : memref<8x32x1280xf32, #tpu.memory_space<hbm>> -> memref<1x1x1280xf32, #tpu.memory_space<hbm>>
      %dma_wait3A_35 = tpu.memref_squeeze %dma_wait3A_34 : memref<1x1x1280xf32, #tpu.memory_space<hbm>> -> memref<1280xf32, #tpu.memory_space<hbm>>
      %dma_wait3A_36 = arith.constant 0 : i32
      %dma_wait3A_37 = tpu.memref_slice %arg3[%run_scoped3A_21, %add3A, %dma_wait3A_36] : memref<8x32x1280xf32, #tpu.memory_space<hbm>> -> memref<1x1x1280xf32, #tpu.memory_space<hbm>>
      %dma_wait3A_38 = tpu.memref_squeeze %dma_wait3A_37 : memref<1x1x1280xf32, #tpu.memory_space<hbm>> -> memref<1280xf32, #tpu.memory_space<hbm>>
      %dma_wait3A_39 = arith.constant 8960 : i32
      %dma_wait3A_40 = tpu.memref_slice %arg4[%dma_wait3A_39] : memref<10240xf32, #tpu.memory_space<vmem>> -> memref<1280xf32, #tpu.memory_space<vmem>>
      tpu.wait_dma2 semaphore(%run_scoped3A_22 : memref<!tpu.dma_semaphore, #tpu.memory_space<semaphore_mem>>) src(%dma_wait3A_40 : memref<1280xf32, #tpu.memory_space<vmem>>) dst(%dma_wait3A_38 : memref<1280xf32, #tpu.memory_space<hbm>>)
      tpu.yield
    }) : () -> ()
    return
  }
}

module attributes {stable_mosaic.version = 14 : i64} {
  func.func @_prep_body(%arg0: i32, %arg1: memref<1280x128xf32, #tpu.memory_space<vmem>>, %arg2: memref<1280x128xf32, #tpu.memory_space<vmem>>, %arg3: memref<1280x128xf32, #tpu.memory_space<vmem>>, %arg4: memref<384x128xf32, #tpu.memory_space<vmem>>, %arg5: memref<1x32x1280xf32, #tpu.memory_space<vmem>>, %arg6: memref<1280x128xf32, #tpu.memory_space<vmem>>, %arg7: memref<1280x1xf32, #tpu.memory_space<vmem>>) attributes {dimension_semantics = [#tpu.dimension_semantics<arbitrary>], iteration_bounds = array<i64: 8>, scalar_prefetch = 0 : i64, scratch_operands = 0 : i64, tpu.core_type = #tpu.core_type<tc>, window_params = [{transform_indices = @transform_0, window_bounds = array<i64: 1280, 128>}, {transform_indices = @transform_1, window_bounds = array<i64: 1280, 128>}, {transform_indices = @transform_2, window_bounds = array<i64: 1280, 128>}, {pipeline_mode = #tpu.pipeline_mode<synchronous>, transform_indices = @transform_3, window_bounds = array<i64: 384, 128>}, {transform_indices = @transform_4, window_bounds = array<i64: 1, 32, 1280>}, {transform_indices = @transform_5, window_bounds = array<i64: 1280, 128>}, {transform_indices = @transform_6, window_bounds = array<i64: 1280, 1>}]} {
    %get3A = arith.constant 0 : index
    %get3A_0 = arith.constant 0 : index
    %get3A_1 = vector.load %arg1[%get3A, %get3A_0] : memref<1280x128xf32, #tpu.memory_space<vmem>>, vector<1280x128xf32>
    %get3A_2 = arith.constant 0 : index
    %get3A_3 = arith.constant 0 : index
    %get3A_4 = vector.load %arg2[%get3A_2, %get3A_3] : memref<1280x128xf32, #tpu.memory_space<vmem>>, vector<1280x128xf32>
    %get3A_5 = arith.constant 0 : index
    %get3A_6 = arith.constant 0 : index
    %get3A_7 = vector.load %arg3[%get3A_5, %get3A_6] : memref<1280x128xf32, #tpu.memory_space<vmem>>, vector<1280x128xf32>
    %mul3A = arith.mulf %get3A_4, %get3A_4 : vector<1280x128xf32>
    %reduce_sum3A = arith.constant dense<0.000000e+00> : vector<1280xf32>
    %reduce_sum3A_8 = vector.multi_reduction <add>, %mul3A, %reduce_sum3A [1] : vector<1280x128xf32> to vector<1280xf32>
    %broadcast_in_dim3A = vector.shape_cast %reduce_sum3A_8 : vector<1280xf32> to vector<1280x1xf32>
    %sqrt3A = math.sqrt %broadcast_in_dim3A : vector<1280x1xf32>
    %jit3A = arith.constant 9.99999993E-9 : f32
    %jit3A_9 = arith.constant 0.999989986 : f32
    %max3A = vector.broadcast %jit3A : f32 to vector<1280x1xf32>
    %max3A_10 = arith.maximumf %max3A, %sqrt3A : vector<1280x1xf32>
    %min3A = vector.broadcast %jit3A_9 : f32 to vector<1280x1xf32>
    %min3A_11 = arith.minimumf %min3A, %max3A_10 : vector<1280x1xf32>
    %add3A = arith.constant 1.000000e+00 : f32
    %add3A_12 = vector.broadcast %add3A : f32 to vector<1280x1xf32>
    %add3A_13 = arith.addf %add3A_12, %min3A_11 : vector<1280x1xf32>
    %sub3A = arith.constant 1.000000e+00 : f32
    %sub3A_14 = vector.broadcast %sub3A : f32 to vector<1280x1xf32>
    %sub3A_15 = arith.subf %sub3A_14, %min3A_11 : vector<1280x1xf32>
    %div3A = arith.divf %add3A_13, %sub3A_15 : vector<1280x1xf32>
    %log3A = math.log %div3A : vector<1280x1xf32>
    %mul3A_16 = arith.constant 5.000000e-01 : f32
    %mul3A_17 = vector.broadcast %mul3A_16 : f32 to vector<1280x1xf32>
    %mul3A_18 = arith.mulf %mul3A_17, %log3A : vector<1280x1xf32>
    %mul3A_19 = vector.broadcast %mul3A_18 : vector<1280x1xf32> to vector<1280x128xf32>
    %mul3A_20 = arith.mulf %mul3A_19, %get3A_4 : vector<1280x128xf32>
    %max3A_21 = arith.constant 9.99999993E-9 : f32
    %max3A_22 = vector.broadcast %max3A_21 : f32 to vector<1280x1xf32>
    %max3A_23 = arith.maximumf %sqrt3A, %max3A_22 : vector<1280x1xf32>
    %div3A_24 = vector.broadcast %max3A_23 : vector<1280x1xf32> to vector<1280x128xf32>
    %div3A_25 = arith.divf %mul3A_20, %div3A_24 : vector<1280x128xf32>
    %mul3A_26 = arith.mulf %get3A_7, %get3A_7 : vector<1280x128xf32>
    %reduce_sum3A_27 = arith.constant dense<0.000000e+00> : vector<1280xf32>
    %reduce_sum3A_28 = vector.multi_reduction <add>, %mul3A_26, %reduce_sum3A_27 [1] : vector<1280x128xf32> to vector<1280xf32>
    %broadcast_in_dim3A_29 = vector.shape_cast %reduce_sum3A_28 : vector<1280xf32> to vector<1280x1xf32>
    %sqrt3A_30 = math.sqrt %broadcast_in_dim3A_29 : vector<1280x1xf32>
    %max3A_31 = arith.constant 9.99999993E-9 : f32
    %max3A_32 = vector.broadcast %max3A_31 : f32 to vector<1280x1xf32>
    %max3A_33 = arith.maximumf %sqrt3A_30, %max3A_32 : vector<1280x1xf32>
    %div3A_34 = arith.constant 1.000000e+00 : f32
    %div3A_35 = vector.broadcast %div3A_34 : f32 to vector<1280x1xf32>
    %div3A_36 = arith.divf %div3A_35, %max3A_33 : vector<1280x1xf32>
    %min3A_37 = arith.minimumf %max3A_33, %div3A_36 : vector<1280x1xf32>
    %mul3A_38 = arith.mulf %min3A_37, %min3A_37 : vector<1280x1xf32>
    %mul3A_39 = arith.constant 0.00116812624 : f32
    %mul3A_40 = vector.broadcast %mul3A_39 : f32 to vector<1280x1xf32>
    %mul3A_41 = arith.mulf %mul3A_40, %mul3A_38 : vector<1280x1xf32>
    %add3A_42 = arith.constant -0.00756849861 : f32
    %add3A_43 = vector.broadcast %add3A_42 : f32 to vector<1280x1xf32>
    %add3A_44 = arith.addf %mul3A_41, %add3A_43 : vector<1280x1xf32>
    %mul3A_45 = arith.mulf %add3A_44, %mul3A_38 : vector<1280x1xf32>
    %add3A_46 = arith.constant 0.023024166 : f32
    %add3A_47 = vector.broadcast %add3A_46 : f32 to vector<1280x1xf32>
    %add3A_48 = arith.addf %mul3A_45, %add3A_47 : vector<1280x1xf32>
    %mul3A_49 = arith.mulf %add3A_48, %mul3A_38 : vector<1280x1xf32>
    %add3A_50 = arith.constant -0.0451981686 : f32
    %add3A_51 = vector.broadcast %add3A_50 : f32 to vector<1280x1xf32>
    %add3A_52 = arith.addf %mul3A_49, %add3A_51 : vector<1280x1xf32>
    %mul3A_53 = arith.mulf %add3A_52, %mul3A_38 : vector<1280x1xf32>
    %add3A_54 = arith.constant 0.0677286536 : f32
    %add3A_55 = vector.broadcast %add3A_54 : f32 to vector<1280x1xf32>
    %add3A_56 = arith.addf %mul3A_53, %add3A_55 : vector<1280x1xf32>
    %mul3A_57 = arith.mulf %add3A_56, %mul3A_38 : vector<1280x1xf32>
    %add3A_58 = arith.constant -0.0882239267 : f32
    %add3A_59 = vector.broadcast %add3A_58 : f32 to vector<1280x1xf32>
    %add3A_60 = arith.addf %mul3A_57, %add3A_59 : vector<1280x1xf32>
    %mul3A_61 = arith.mulf %add3A_60, %mul3A_38 : vector<1280x1xf32>
    %add3A_62 = arith.constant 0.110604577 : f32
    %add3A_63 = vector.broadcast %add3A_62 : f32 to vector<1280x1xf32>
    %add3A_64 = arith.addf %mul3A_61, %add3A_63 : vector<1280x1xf32>
    %mul3A_65 = arith.mulf %add3A_64, %mul3A_38 : vector<1280x1xf32>
    %add3A_66 = arith.constant -0.142800182 : f32
    %add3A_67 = vector.broadcast %add3A_66 : f32 to vector<1280x1xf32>
    %add3A_68 = arith.addf %mul3A_65, %add3A_67 : vector<1280x1xf32>
    %mul3A_69 = arith.mulf %add3A_68, %mul3A_38 : vector<1280x1xf32>
    %add3A_70 = arith.constant 0.199996665 : f32
    %add3A_71 = vector.broadcast %add3A_70 : f32 to vector<1280x1xf32>
    %add3A_72 = arith.addf %mul3A_69, %add3A_71 : vector<1280x1xf32>
    %mul3A_73 = arith.mulf %add3A_72, %mul3A_38 : vector<1280x1xf32>
    %add3A_74 = arith.constant -0.333333254 : f32
    %add3A_75 = vector.broadcast %add3A_74 : f32 to vector<1280x1xf32>
    %add3A_76 = arith.addf %mul3A_73, %add3A_75 : vector<1280x1xf32>
    %mul3A_77 = arith.mulf %add3A_76, %mul3A_38 : vector<1280x1xf32>
    %add3A_78 = arith.constant 1.000000e+00 : f32
    %add3A_79 = vector.broadcast %add3A_78 : f32 to vector<1280x1xf32>
    %add3A_80 = arith.addf %mul3A_77, %add3A_79 : vector<1280x1xf32>
    %mul3A_81 = arith.mulf %add3A_80, %min3A_37 : vector<1280x1xf32>
    %le3A = arith.constant 1.000000e+00 : f32
    %le3A_82 = vector.broadcast %le3A : f32 to vector<1280x1xf32>
    %le3A_83 = arith.cmpf ole, %max3A_33, %le3A_82 : vector<1280x1xf32>
    %sub3A_84 = arith.constant 1.57079637 : f32
    %sub3A_85 = vector.broadcast %sub3A_84 : f32 to vector<1280x1xf32>
    %sub3A_86 = arith.subf %sub3A_85, %mul3A_81 : vector<1280x1xf32>
    %select_n3A = arith.select %le3A_83, %mul3A_81, %sub3A_86 : vector<1280x1xi1>, vector<1280x1xf32>
    %mul3A_87 = vector.broadcast %select_n3A : vector<1280x1xf32> to vector<1280x128xf32>
    %mul3A_88 = arith.mulf %mul3A_87, %get3A_7 : vector<1280x128xf32>
    %div3A_89 = vector.broadcast %max3A_33 : vector<1280x1xf32> to vector<1280x128xf32>
    %div3A_90 = arith.divf %mul3A_88, %div3A_89 : vector<1280x128xf32>
    %get3A_91 = arith.constant 0 : index
    %get3A_92 = arith.constant 0 : index
    %get3A_93 = vector.load %arg4[%get3A_91, %get3A_92] : memref<384x128xf32, #tpu.memory_space<vmem>>, vector<384x128xf32>
    %slice3A = vector.extract_strided_slice %get3A_93 {offsets = [0, 0], sizes = [128, 128], strides = [1, 1]} : vector<384x128xf32> to vector<128x128xf32>
    %dot_general3A = arith.constant dense<0.000000e+00> : vector<1280x128xf32>
    %dot_general3A_94 = tpu.matmul %get3A_1, %slice3A, %dot_general3A {dimension_numbers = #tpu.dot_dimension_numbers<[1], [0], [0], [1], [0, 0, 1, 1], [], []>, transpose_lhs_hint = false} : vector<1280x128xf32>, vector<128x128xf32>, vector<1280x128xf32> -> vector<1280x128xf32>
    %slice3A_95 = vector.extract_strided_slice %get3A_93 {offsets = [128, 0], sizes = [128, 128], strides = [1, 1]} : vector<384x128xf32> to vector<128x128xf32>
    %dot_general3A_96 = arith.constant dense<0.000000e+00> : vector<1280x128xf32>
    %dot_general3A_97 = tpu.matmul %div3A_25, %slice3A_95, %dot_general3A_96 {dimension_numbers = #tpu.dot_dimension_numbers<[1], [0], [0], [1], [0, 0, 1, 1], [], []>, transpose_lhs_hint = false} : vector<1280x128xf32>, vector<128x128xf32>, vector<1280x128xf32> -> vector<1280x128xf32>
    %add3A_98 = arith.addf %dot_general3A_94, %dot_general3A_97 : vector<1280x128xf32>
    %slice3A_99 = vector.extract_strided_slice %get3A_93 {offsets = [256, 0], sizes = [128, 128], strides = [1, 1]} : vector<384x128xf32> to vector<128x128xf32>
    %dot_general3A_100 = arith.constant dense<0.000000e+00> : vector<1280x128xf32>
    %dot_general3A_101 = tpu.matmul %div3A_90, %slice3A_99, %dot_general3A_100 {dimension_numbers = #tpu.dot_dimension_numbers<[1], [0], [0], [1], [0, 0, 1, 1], [], []>, transpose_lhs_hint = false} : vector<1280x128xf32>, vector<128x128xf32>, vector<1280x128xf32> -> vector<1280x128xf32>
    %add3A_102 = arith.addf %add3A_98, %dot_general3A_101 : vector<1280x128xf32>
    %get3A_103 = arith.constant 0 : index
    %get3A_104 = arith.constant 0 : index
    %get3A_105 = arith.constant 0 : index
    %get3A_106 = vector.load %arg5[%get3A_103, %get3A_104, %get3A_105] : memref<1x32x1280xf32, #tpu.memory_space<vmem>>, vector<1x32x1280xf32>
    %get3A_107 = vector.shape_cast %get3A_106 : vector<1x32x1280xf32> to vector<32x1280xf32>
    %reduce_sum3A_108 = arith.constant dense<0.000000e+00> : vector<1280xf32>
    %reduce_sum3A_109 = vector.multi_reduction <add>, %get3A_107, %reduce_sum3A_108 [0] : vector<32x1280xf32> to vector<1280xf32>
    %broadcast_in_dim3A_110 = vector.shape_cast %reduce_sum3A_109 : vector<1280xf32> to vector<1x1280xf32>
    %add3A_111 = arith.constant 1.000000e+00 : f32
    %add3A_112 = vector.broadcast %add3A_111 : f32 to vector<1x1280xf32>
    %add3A_113 = arith.addf %broadcast_in_dim3A_110, %add3A_112 : vector<1x1280xf32>
    %rsqrt3A = math.rsqrt %add3A_113 : vector<1x1280xf32>
    %transpose3A = tpu.transpose %rsqrt3A, [1, 0] : vector<1x1280xf32> -> vector<1280x1xf32>
    %mul3A_114 = vector.broadcast %transpose3A : vector<1280x1xf32> to vector<1280x128xf32>
    %mul3A_115 = arith.mulf %add3A_102, %mul3A_114 : vector<1280x128xf32>
    %swap3A = arith.constant 0 : index
    %swap3A_116 = arith.constant 0 : index
    %swap3A_117 = vector.load %arg6[%swap3A, %swap3A_116] : memref<1280x128xf32, #tpu.memory_space<vmem>>, vector<1280x128xf32>
    tpu.vector_store %arg6[%swap3A, %swap3A_116], %mul3A_115 {strides = array<i32>} : memref<1280x128xf32, #tpu.memory_space<vmem>>, vector<1280x128xf32>,
    %transpose3A_118 = tpu.transpose %rsqrt3A, [1, 0] : vector<1x1280xf32> -> vector<1280x1xf32>
    %swap3A_119 = arith.constant 0 : index
    %swap3A_120 = arith.constant 0 : index
    %swap3A_121 = vector.load %arg7[%swap3A_119, %swap3A_120] : memref<1280x1xf32, #tpu.memory_space<vmem>>, vector<1280x1xf32>
    tpu.vector_store %arg7[%swap3A_119, %swap3A_120], %transpose3A_118 {strides = array<i32>} : memref<1280x1xf32, #tpu.memory_space<vmem>>, vector<1280x1xf32>,
    return
  }
  func.func @transform_0(%arg0: i32) -> (i32, i32) {
    %c0_i32 = arith.constant 0 : i32
    %c0_i32_0 = arith.constant 0 : i32
    return %arg0, %c0_i32 : i32, i32
  }
  func.func @transform_1(%arg0: i32) -> (i32, i32) {
    %c0_i32 = arith.constant 0 : i32
    %c0_i32_0 = arith.constant 0 : i32
    return %arg0, %c0_i32 : i32, i32
  }
  func.func @transform_2(%arg0: i32) -> (i32, i32) {
    %c0_i32 = arith.constant 0 : i32
    %c0_i32_0 = arith.constant 0 : i32
    return %arg0, %c0_i32 : i32, i32
  }
  func.func @transform_3(%arg0: i32) -> (i32, i32) {
    %c0_i32 = arith.constant 0 : i32
    %c0_i32_0 = arith.constant 0 : i32
    %c0_i32_1 = arith.constant 0 : i32
    return %c0_i32, %c0_i32_0 : i32, i32
  }
  func.func @transform_4(%arg0: i32) -> (i32, i32, i32) {
    %c0_i32 = arith.constant 0 : i32
    %c0_i32_0 = arith.constant 0 : i32
    %c0_i32_1 = arith.constant 0 : i32
    return %arg0, %c0_i32, %c0_i32_0 : i32, i32, i32
  }
  func.func @transform_5(%arg0: i32) -> (i32, i32) {
    %c0_i32 = arith.constant 0 : i32
    %c0_i32_0 = arith.constant 0 : i32
    return %arg0, %c0_i32 : i32, i32
  }
  func.func @transform_6(%arg0: i32) -> (i32, i32) {
    %c0_i32 = arith.constant 0 : i32
    %c0_i32_0 = arith.constant 0 : i32
    return %arg0, %c0_i32 : i32, i32
  }
}

module attributes {stable_mosaic.version = 14 : i64} {
  func.func @_out_body(%arg0: i32, %arg1: memref<2x1000x128xf32, #tpu.memory_space<vmem>>, %arg2: memref<1000x128xf32, #tpu.memory_space<vmem>>, %arg3: memref<1000x1xf32, #tpu.memory_space<vmem>>, %arg4: memref<1x128xf32, #tpu.memory_space<vmem>>, %arg5: memref<1000x128xf32, #tpu.memory_space<vmem>>, %arg6: memref<1000x1000xf32, #tpu.memory_space<vmem>>) attributes {dimension_semantics = [#tpu.dimension_semantics<arbitrary>], iteration_bounds = array<i64: 10>, scalar_prefetch = 0 : i64, scratch_operands = 0 : i64, tpu.core_type = #tpu.core_type<tc>, window_params = [{transform_indices = @transform_0, window_bounds = array<i64: 2, 1000, 128>}, {transform_indices = @transform_1, window_bounds = array<i64: 1000, 128>}, {transform_indices = @transform_2, window_bounds = array<i64: 1000, 1>}, {pipeline_mode = #tpu.pipeline_mode<synchronous>, transform_indices = @transform_3, window_bounds = array<i64: 1, 128>}, {pipeline_mode = #tpu.pipeline_mode<synchronous>, transform_indices = @transform_4, window_bounds = array<i64: 1000, 128>}, {transform_indices = @transform_5, window_bounds = array<i64: 1000, 1000>}]} {
    %get3A = arith.constant 0 : index
    %get3A_0 = arith.constant 0 : index
    %get3A_1 = arith.constant 0 : index
    %get3A_2 = vector.load %arg1[%get3A, %get3A_0, %get3A_1] : memref<2x1000x128xf32, #tpu.memory_space<vmem>>, vector<1x1000x128xf32>
    %get3A_3 = vector.shape_cast %get3A_2 : vector<1x1000x128xf32> to vector<1000x128xf32>
    %get3A_4 = arith.constant 1 : index
    %get3A_5 = arith.constant 0 : index
    %get3A_6 = arith.constant 0 : index
    %get3A_7 = vector.load %arg1[%get3A_4, %get3A_5, %get3A_6] : memref<2x1000x128xf32, #tpu.memory_space<vmem>>, vector<1x1000x128xf32>
    %get3A_8 = vector.shape_cast %get3A_7 : vector<1x1000x128xf32> to vector<1000x128xf32>
    %add3A = arith.addf %get3A_3, %get3A_8 : vector<1000x128xf32>
    %get3A_9 = arith.constant 0 : index
    %get3A_10 = arith.constant 0 : index
    %get3A_11 = vector.load %arg2[%get3A_9, %get3A_10] : memref<1000x128xf32, #tpu.memory_space<vmem>>, vector<1000x128xf32>
    %sub3A = arith.subf %add3A, %get3A_11 : vector<1000x128xf32>
    %get3A_12 = arith.constant 0 : index
    %get3A_13 = arith.constant 0 : index
    %get3A_14 = vector.load %arg3[%get3A_12, %get3A_13] : memref<1000x1xf32, #tpu.memory_space<vmem>>, vector<1000x1xf32>
    %mul3A = vector.broadcast %get3A_14 : vector<1000x1xf32> to vector<1000x128xf32>
    %mul3A_15 = arith.mulf %sub3A, %mul3A : vector<1000x128xf32>
    %get3A_16 = arith.constant 0 : index
    %get3A_17 = arith.constant 0 : index
    %get3A_18 = vector.load %arg4[%get3A_16, %get3A_17] : memref<1x128xf32, #tpu.memory_space<vmem>>, vector<1x128xf32>
    %add3A_19 = vector.broadcast %get3A_18 : vector<1x128xf32> to vector<1000x128xf32>
    %add3A_20 = arith.addf %mul3A_15, %add3A_19 : vector<1000x128xf32>
    %mul3A_21 = arith.mulf %add3A_20, %add3A_20 : vector<1000x128xf32>
    %reduce_sum3A = arith.constant dense<0.000000e+00> : vector<1000xf32>
    %reduce_sum3A_22 = vector.multi_reduction <add>, %mul3A_21, %reduce_sum3A [1] : vector<1000x128xf32> to vector<1000xf32>
    %broadcast_in_dim3A = vector.shape_cast %reduce_sum3A_22 : vector<1000xf32> to vector<1000x1xf32>
    %sqrt3A = math.sqrt %broadcast_in_dim3A : vector<1000x1xf32>
    %max3A = arith.constant 9.99999993E-9 : f32
    %max3A_23 = vector.broadcast %max3A : f32 to vector<1000x1xf32>
    %max3A_24 = arith.maximumf %sqrt3A, %max3A_23 : vector<1000x1xf32>
    %div3A = vector.broadcast %max3A_24 : vector<1000x1xf32> to vector<1000x128xf32>
    %div3A_25 = arith.divf %add3A_20, %div3A : vector<1000x128xf32>
    %get3A_26 = arith.constant 0 : index
    %get3A_27 = arith.constant 0 : index
    %get3A_28 = vector.load %arg5[%get3A_26, %get3A_27] : memref<1000x128xf32, #tpu.memory_space<vmem>>, vector<1000x128xf32>
    %mul3A_29 = arith.mulf %get3A_28, %get3A_28 : vector<1000x128xf32>
    %reduce_sum3A_30 = arith.constant dense<0.000000e+00> : vector<1000xf32>
    %reduce_sum3A_31 = vector.multi_reduction <add>, %mul3A_29, %reduce_sum3A_30 [1] : vector<1000x128xf32> to vector<1000xf32>
    %broadcast_in_dim3A_32 = vector.shape_cast %reduce_sum3A_31 : vector<1000xf32> to vector<1000x1xf32>
    %sqrt3A_33 = math.sqrt %broadcast_in_dim3A_32 : vector<1000x1xf32>
    %max3A_34 = arith.constant 9.99999993E-9 : f32
    %max3A_35 = vector.broadcast %max3A_34 : f32 to vector<1000x1xf32>
    %max3A_36 = arith.maximumf %sqrt3A_33, %max3A_35 : vector<1000x1xf32>
    %div3A_37 = vector.broadcast %max3A_36 : vector<1000x1xf32> to vector<1000x128xf32>
    %div3A_38 = arith.divf %get3A_28, %div3A_37 : vector<1000x128xf32>
    %dot_general3A = arith.constant dense<0.000000e+00> : vector<1000x1000xf32>
    %dot_general3A_39 = tpu.matmul %div3A_25, %div3A_38, %dot_general3A {dimension_numbers = #tpu.dot_dimension_numbers<[1], [1], [0], [0], [0, 0, 1, 0], [], []>, transpose_lhs_hint = false} : vector<1000x128xf32>, vector<1000x128xf32>, vector<1000x1000xf32> -> vector<1000x1000xf32>
    %swap3A = arith.constant 0 : index
    %swap3A_40 = arith.constant 0 : index
    %swap3A_41 = vector.load %arg6[%swap3A, %swap3A_40] : memref<1000x1000xf32, #tpu.memory_space<vmem>>, vector<1000x1000xf32>
    tpu.vector_store %arg6[%swap3A, %swap3A_40], %dot_general3A_39 {strides = array<i32>} : memref<1000x1000xf32, #tpu.memory_space<vmem>>, vector<1000x1000xf32>,
    return
  }
  func.func @transform_0(%arg0: i32) -> (i32, i32, i32) {
    %c0_i32 = arith.constant 0 : i32
    %c0_i32_0 = arith.constant 0 : i32
    %c0_i32_1 = arith.constant 0 : i32
    return %c0_i32, %arg0, %c0_i32_0 : i32, i32, i32
  }
  func.func @transform_1(%arg0: i32) -> (i32, i32) {
    %c0_i32 = arith.constant 0 : i32
    %c0_i32_0 = arith.constant 0 : i32
    return %arg0, %c0_i32 : i32, i32
  }
  func.func @transform_2(%arg0: i32) -> (i32, i32) {
    %c0_i32 = arith.constant 0 : i32
    %c0_i32_0 = arith.constant 0 : i32
    return %arg0, %c0_i32 : i32, i32
  }
  func.func @transform_3(%arg0: i32) -> (i32, i32) {
    %c0_i32 = arith.constant 0 : i32
    %c0_i32_0 = arith.constant 0 : i32
    %c0_i32_1 = arith.constant 0 : i32
    return %c0_i32, %c0_i32_0 : i32, i32
  }
  func.func @transform_4(%arg0: i32) -> (i32, i32) {
    %c0_i32 = arith.constant 0 : i32
    %c0_i32_0 = arith.constant 0 : i32
    %c0_i32_1 = arith.constant 0 : i32
    return %c0_i32, %c0_i32_0 : i32, i32
  }
  func.func @transform_5(%arg0: i32) -> (i32, i32) {
    %c0_i32 = arith.constant 0 : i32
    %c0_i32_0 = arith.constant 0 : i32
    return %arg0, %c0_i32 : i32, i32
  }
}

</mosaic_0001>

<sc_bundles>
// kernel: kernel.6.cloned.1.call-start
scs
__scs_entry_jumppad:
0x0: {  	(pc) =	sbr.rel $0x88, $3  }
0x1: {  	(tag) =	ssettag $0x0;
	lr =	simm.s32 $0x1  }
0x2: {  	[smem:$0x3F9A] =	sst lr;
	_ =	strace $0xD0000000  }
0x3: {  	_ = 	snop  }
0x4: {  	_ = 	snop  }
0x5: {  	_ = 	snop  }
0x6: {  	_ = 	snop  }
0x7: {  	_ = 	snop  }
__scs_overlays_trampoline_lowered:
0x8: {  	[smem:$0x3FA9] =	sst s0  }
0x9: {  	[smem:$0x3FAA] =	sst s1  }
0xa: {  	[smem:$0x3FAB] =	sst s2  }
0xb: {  	[smem:$0x3FAC] =	sst s3  }
0xc: {  	[smem:$0x3FAD] =	sst s4  }
0xd: {  	[smem:$0x3FAE] =	sst s5  }
0xe: {  	[smem:$0x3FAF] =	sst s6  }
0xf: {  	[smem:$0x3FB0] =	sst s7  }
0x10: {  	[smem:$0x3FB1] =	sst s8  }
0x11: {  	[smem:$0x3FB2] =	sst s9;
	s0 =	simm.s32 @!p0 $0x0  }
0x12: {  	s1 =	sld [smem:$0x3F98];
	s0 =	simm.s32 @p0 $0x1  }
0x13: {  	[smem:$0x3FB3] =	sst s0;
	s0 =	simm.s32 @!p1 $0x0  }
0x14: {  	s2 =	sld [smem:$0x3F97];
	s0 =	simm.s32 @p1 $0x1  }
0x15: {  	[smem:$0x3FB4] =	sst s0;
	s0 =	simm.s32 @!p2 $0x0  }
0x16: {  	s3 =	sld [smem:$0x3FDB];
	s0 =	simm.s32 @p2 $0x1  }
0x17: {  	s4 =	simm.s32 $0x1BF5;
	[smem:$0x3FB6] =	sst s0  }
0x18: {  	s0 =	sld [smem:$0x3F99];
	_ =	swait.ge [sflag:s4], $0x0  }
0x19: {  	s7 =	sld [smem:$0x3F9A]  }
0x1a: {  	s8 =	sadd.s32 $0xFFFFE003, lr  }
0x1b: {  	s9 =	sadd.s32 $0xFFFFFEF7, lr;
	s5 =	simm.s32 $0xFFFFFFFF;
	p2 =	slt.u32 s8, $0xFFFFF086  }
0x1c: {  	p1 =	slt.u32 s9, $0xF7A;
	s5 =	simm.s32 @!p2 $0x0  }
0x1d: {  	s5 =	simm.s32 @p1 $0x1;
	p0 =	seq.s32 s7, s2  }
0x1e: {  	s7 =	smul.u32 @!p0 $0xF7A, s2;
	p2 =	seq.s32 @!p0 s5, $0x0  }
0x1f: {  	s9 =	smul.u32 $0xF7A, s1;
	s8 =	simm.s32 @!p0 $0x1BF5;
	p2 =	por !p2, p0  }
0x20: {  	[sflag:s8] =	ssyncset.s32 @!p0 $0xFFFFF086;
	s6 =	sadd.s32 @!p0 s3, s7;
	s7 =	simm.s32 @!p0 $0x108  }
0x21: {  	s3 =	sadd.s32 s3, s9;
	s6 =	sadd.s32 @!p0 $0x88, s6;
	s7 =	simm.s32 @p2 $0x1082  }
0x22: {  	[simem:s7], [sflag:s8] =	dma.local @!p0 [hbm:s6], $0xF7A  }
0x23: {  	s9 =	sor.u32 $0xD0000000, s2;
	s6 =	simm.s32 $0x108;
	_ =	swait.ge @!p0 [sflag:s8], $0x0  }
0x24: {  	s3 =	sadd.s32 $0x88, s3;
	s6 =	simm.s32 @!p1 $0x1082;
	[sflag:s4] =	ssyncset.s32 $0xFFFFF086  }
0x25: {  	[simem:s6], [sflag:s4] =	dma.local [hbm:s3], $0xF7A  }
0x26: {  	[smem:$0x3F9A] =	sst s1;
	(tag) =	ssettag s2;
	_ =	strace s9  }
0x27: {  	s1 =	sld [smem:$0x3FAA]  }
0x28: {  	s2 =	sld [smem:$0x3FAB]  }
0x29: {  	s4 =	sld [smem:$0x3FAD]  }
0x2a: {  	p0 =	seq.s32 s5, $0x0;
	s5 =	sld [smem:$0x3FAE]  }
0x2b: {  	s6 =	sld [smem:$0x3FAF]  }
0x2c: {  	s7 =	sld [smem:$0x3FB0]  }
0x2d: {  	s3 =	simm.s32 $0x108;
	s8 =	sld [smem:$0x3FB1]  }
0x2e: {  	s3 =	simm.s32 @!p0 $0x1082;
	s9 =	sld [smem:$0x3FB2]  }
0x2f: {  	lr =	sadd.s32 s0, s3;
	s0 =	sld [smem:$0x3FA9]  }
0x30: {  	s3 =	sld [smem:$0x3FAC]  }
0x31: {  	[smem:$0x3FB5] =	sst s10  }
0x32: {  	s10 =	sld [smem:$0x3FB3];
	_ =	sdelay $0x3  }
0x33: {  	p0 =	seq.s32 s10, $0x1;
	s10 =	sld [smem:$0x3FB5];
	_ =	sdelay $0x3  }
0x34: {  	[smem:$0x3FB5] =	sst s10  }
0x35: {  	s10 =	sld [smem:$0x3FB4];
	_ =	sdelay $0x3  }
0x36: {  	p1 =	seq.s32 s10, $0x1;
	s10 =	sld [smem:$0x3FB5];
	_ =	sdelay $0x3  }
0x37: {  	[smem:$0x3FB5] =	sst s10  }
0x38: {  	s10 =	sld [smem:$0x3FB6]  }
0x39: {  	_ = 	snop;
	(pc) =	sbr.ind lr, $3  }
0x3a: {  	_ = 	snop  }
0x3b: {  	_ = 	snop  }
0x3c: {  	p2 =	seq.s32 s10, $0x1;
	s10 =	sld [smem:$0x3FB5]  }
0x3d: {  	_ =	shalt  }
0x3e: {  	_ =	shalt  }
0x3f: {  	_ =	shalt  }
0x40: {  	_ =	shalt  }
0x41: {  	_ =	shalt  }
0x42: {  	_ =	shalt  }
0x43: {  	_ =	shalt  }
0x44: {  	_ =	shalt  }
0x45: {  	_ =	shalt  }
0x46: {  	_ =	shalt  }
0x47: {  	_ =	shalt  }
0x48: {  	_ =	shalt  }
0x49: {  	_ =	shalt  }
0x4a: {  	_ =	shalt  }
0x4b: {  	_ =	shalt  }
0x4c: {  	_ =	shalt  }
0x4d: {  	_ =	shalt  }
0x4e: {  	_ =	shalt  }
0x4f: {  	_ =	shalt  }
0x50: {  	_ =	shalt  }
0x51: {  	_ =	shalt  }
0x52: {  	_ =	shalt  }
0x53: {  	_ =	shalt  }
0x54: {  	_ =	shalt  }
0x55: {  	_ =	shalt  }
0x56: {  	_ =	shalt  }
0x57: {  	_ =	shalt  }
0x58: {  	_ =	shalt  }
0x59: {  	_ =	shalt  }
0x5a: {  	_ =	shalt  }
0x5b: {  	_ =	shalt  }
0x5c: {  	_ =	shalt  }
0x5d: {  	_ =	shalt  }
0x5e: {  	_ =	shalt  }
0x5f: {  	_ =	shalt  }
0x60: {  	_ =	shalt  }
0x61: {  	_ =	shalt  }
0x62: {  	_ =	shalt  }
0x63: {  	_ =	shalt  }
0x64: {  	_ =	shalt  }
0x65: {  	_ =	shalt  }
0x66: {  	_ =	shalt  }
0x67: {  	_ =	shalt  }
0x68: {  	_ =	shalt  }
0x69: {  	_ =	shalt  }
0x6a: {  	_ =	shalt  }
0x6b: {  	_ =	shalt  }
0x6c: {  	_ =	shalt  }
0x6d: {  	_ =	shalt  }
0x6e: {  	_ =	shalt  }
0x6f: {  	_ =	shalt  }
0x70: {  	_ =	shalt  }
0x71: {  	_ =	shalt  }
0x72: {  	_ =	shalt  }
0x73: {  	_ =	shalt  }
0x74: {  	_ =	shalt  }
0x75: {  	_ =	shalt  }
0x76: {  	_ =	shalt  }
0x77: {  	_ =	shalt  }
0x78: {  	_ =	shalt  }
0x79: {  	_ =	shalt  }
0x7a: {  	_ =	shalt  }
0x7b: {  	_ =	shalt  }
0x7c: {  	_ =	shalt  }
0x7d: {  	_ =	shalt  }
0x7e: {  	_ =	shalt  }
0x7f: {  	_ =	shalt  }
0x80: {  	_ =	shalt  }
0x81: {  	_ =	shalt  }
0x82: {  	_ =	shalt  }
0x83: {  	_ =	shalt  }
0x84: {  	_ =	shalt  }
0x85: {  	_ =	shalt  }
0x86: {  	_ =	shalt  }
0x87: {  	_ =	shalt  }
.Lfunc_end0:
.L_simem_size_0:
called_computation_lowered:
.L_overlay_start_0:
0x88: {  	s2 =	sld [smem:$0x3FD9]  }
0x89: {  	s3 =	sld [smem:$0x3FFE];
	_ =	sdelay $0x1  }
0x8a: {  	s1 =	srdreg.scid  }
0x8b: {  	s0 =	sand.u32 $0x1, s1  }
0x8c: {  	s17 =	sshll.u32 s0, $0xA;
	s2 =	sadd.s32 s3, s2  }
0x8d: {  	s2 =	sadd.s32 s2, s17  }
0x8e: {  	[smem:$0x3FC1] =	sst s2  }
0x8f: {  	_ = 	snop  }
0x90: {  	s2 =	sld [smem:$0x3FD0];
	(tm) =	ssettm $0x1  }
0x91: {  	s18 =	sld [smem:$0x3FFB];
	_ =	sdelay $0x3  }
0x92: {  	_ =	strace s18  }
0x93: {  	s3 =	sld [smem:$0x3FFC];
	_ =	sdelay $0x3  }
0x94: {  	_ =	strace s3  }
0x95: {  	s3 =	sld [smem:$0x3FFD];
	_ =	sdelay $0x3  }
0x96: {  	_ =	strace s3  }
0x97: {  	_ =	strace $0x8FFFFFFF  }
0x98: {  	s19 =	sld [smem:$0x3FDB];
	_ =	sdelay $0x1  }
0x99: {  	s4 =	simm.s32 $_scs_section_size  }
0x9a: {  	s5 =	simm.s32 $_size__tile_overlayer_lowered;
	s6 =	simm.s32 $_tile_overlayer_lowered  }
0x9b: {  	s22 =	simm.s32 $0x1BFF;
	s21 =	sshll.u32 s6, $0x1;
	s3 =	sadd.s32 s4, s19  }
0x9c: {  	s7 =	simm.s32 $0x0;
	s20 =	sshll.u32 s5, $0x1;
	s5 =	sadd.s32 s21, s3  }
0x9d: {  	[timem:s7], [sflag:s22] =	dma.local [hbm:s5], s20  }
0x9e: {  	_ =	swait.ge [sflag:s22], s20  }
0x9f: {  	s4 =	ssub.s32 $0x0, s20;
	[sflag:s22] =	ssyncset.done $0x0  }
0xa0: {  	[sflag:s22] =	ssyncadd.s32 s4;
	_ =	sdelay $0x1  }
0xa1: {  	s23 =	simm.s32 $0x1B8B  }
0xa2: {  	_ =	swait.ge [sflag:s23], $0x1  }
0xa3: {  	[sflag:s23] =	ssyncset.done $0x0  }
0xa4: {  	s25 =	simm.s32 $0x1B8E;
	s24 =	sld [smem:$0x3FFE];
	[sflag:s23] =	ssyncadd.s32 $0xFFFFFFFF  }
0xa5: {  	s26 =	simm.s32 $execute0_lowered;
	[smem:$0x3FD2] =	sst s25  }
0xa6: {  	s5 =	sshll.u32 s26, $0x1;
	_ =	strace $0x80000046;
	[dreg:$0x1] =	wrdreg $0xFFFFFFFF  }
0xa7: {  	s28 =	simm.s32 $_size_execute0_lowered;
	s3 =	sadd.s32 s3, s5;
	[dreg:$0x0] =	wrdreg $0x0  }
0xa8: {  	s5 =	sshll.u32 s28, $0x1;
	[dreg:$0x2] =	wrdreg s3  }
0xa9: {  	[dreg:$0x3] =	wrdreg s5  }
0xaa: {  	[dreg:$0x4] =	wrdreg $0xC0  }
0xab: {  	_ =	task [dreg:s7], $0x5FFFF  }
0xac: {  	[dreg:$0x1] =	wrdreg $0xFFFFFFFF  }
0xad: {  	[dreg:$0x0] =	wrdreg $0x60  }
0xae: {  	[dreg:$0x2] =	wrdreg s24  }
0xaf: {  	[dreg:$0x3] =	wrdreg s2  }
0xb0: {  	[dreg:$0x4] =	wrdreg $0x9  }
0xb1: {  	_ =	task.clear_ibuf [dreg:s7], $0x5FFFF;
	_ =	strace $0x90000046  }
0xb2: {  	s29 =	simm.s32 $0x9;
	_ =	strace $0x80000048  }
0xb3: {  	_ =	swait.ge [sflag:s29], $0x1  }
0xb4: {  	[sflag:s29] =	ssyncadd.s32 $0xFFFFFFFF  }
0xb5: {  	_ =	strace $0x90000048  }
0xb6: {  	_ =	sfence  }
0xb7: {  	s30 =	sld [smem:$0x0];
	_ =	sdelay $0x2  }
0xb8: {  	s31 =	sshll.u32 s1, $0xD;
	s1 =	sshrl.u32 s1, $0x2  }
0xb9: {  	s3 =	sand.u32 $0x4000, s31;
	s1 =	sadd.s32 s1, s30  }
0xba: {  	s0 =	sor.u32 s3, s0;
	s1 =	sshll.u32 s1, $0x11  }
0xbb: {  	s0 =	sor.u32 s1, s0  }
0xbc: {  	s0 =	sadd.s32 $0x8F2B, s0  }
0xbd: {  	[sflag:s0] =	ssyncadd.remote.s32 $0x1  }
0xbe: {  	_ =	sfence.sel $0xFFFF  }
0xbf: {  	[dreg:$0x0] =	wrdreg $0xFFFFFFFF;
	(pc) =	sbr.abs _section_cstart, $3  }
0xc0: {  	[dreg:$0x1] =	wrdreg $0xFFFFFFFF  }
0xc1: {  	_ =	task.clear_ibuf [dreg:s7], $0x2FFFF;
	_ =	strace $0x9FFFFFFF  }
0xc2: {  	(tm) =	ssettm $0x7FFFFFFF  }
0xc3: {  	_ =	shalt  }
tec
execute0_lowered:
.L_overlay_start_1:
0x0: {  	(tag) =	ssettag $0x1  }
0x1: {  	s0 =	srdreg.scid;
	s3 =	rddreg [dreg:$0x0]  }
0x2: {  	s10 =	rddreg [dreg:$0x1];
	s1 =	stileid.u32;
	s17 =	simm.s32 $0x2800  }
0x3: {  	s18 =	simm.s32 $0x1;
	s19 =	simm.s32 $0x80;
	s20 =	simm.s32 $0x400  }
0x4: {  	s21 =	simm.s32 $0x500;
	s22 =	simm.s32 $0xA00;
	s23 =	simm.s32 $0xF00  }
0x5: {  	s28 =	simm.s32 $0x2300;
	s29 =	simm.s32 $0x0;
	s4 =	sand.u32 $0x1, s0  }
0x6: {  	s0 =	rddreg [dreg:$0x2];
	s7 =	sshll.u32 s1, $0x7;
	s2 =	sshll.u32 s4, $0x4  }
0x7: {  	s7 =	sand.u32 $0x380, s7;
	s24 =	ssub.s32 $0x2, s4;
	s5 =	sor.u32 s1, s2  }
0x8: {  	s2 =	simm.s32 $0x0;
	s6 =	smul.u32 $0x2710, s5;
	s5 =	sshrl.u32 s5, $0x3  }
0x9: {  	s4 =	sshrl.u32 s24, $0x1;
	[smem:$0x7FF] =	sst s2;
	s5 =	smul.u32 $0x2800, s5  }
0xa: {  	s11 =	ssub.s32 s24, s4;
	s24 =	simm.s32 $0x1400;
	_ =	strace $0x80000047  }
0xb: {  	s11 =	smax.u32 s11, $0x1;
	s6 =	sshrl.u32 s6, $0x3;
	s8 =	sor.u32 s7, s5  }
0xc: {  	s16 =	sadd.s32 s6, s3;
	s5 =	sshrl.u32 s8, $0x3;
	s25 =	sadd.s32 $0xA000, s8  }
0xd: {  	s30 =	sadd.s32 $0x14000, s8;
	s7 =	sadd.s32 $0x1E000, s8;
	s31 =	sadd.s32 $0x32000, s8  }
0xe: {  	s12 =	sadd.s32 $0x3C000, s8;
	s8 =	sadd.s32 $0x46000, s8;
	s14 =	sadd.s32 $0xC634, s16  }
0xf: {  	s15 =	sadd.s32 $0xC72E, s16;
	s3 =	sadd.s32 s10, s5;
	s26 =	sshrl.u32 s25, $0x3  }
0x10: {  	s6 =	sshrl.u32 s30, $0x3;
	s7 =	sshrl.u32 s7, $0x3;
	s9 =	sor.u32 $0x5000, s5  }
0x11: {  	s12 =	sshrl.u32 s12, $0x3;
	s13 =	sshrl.u32 s8, $0x3;
	s25 =	simm.s32 $0x1900  }
0x12: {  	s4 =	sadd.s32 s10, s26;
	s5 =	sadd.s32 s10, s6;
	s6 =	sadd.s32 s10, s7  }
0x13: {  	s7 =	sadd.s32 s10, s9;
	s9 =	sshrl.u32 s31, $0x3;
	s26 =	simm.s32 $0x1E00  }
0x14: {  	s8 =	sadd.s32 s10, s9;
	s9 =	sadd.s32 s10, s12;
	s10 =	sadd.s32 s10, s13  }
0x15: {  	v0 =	vimm.f32 $0.0e+00;
	v1 =	vimm.f32 $1.000000000e+00;
	s12 =	sadd.s32 $0xC440, s16;
	s13 =	sadd.s32 $0xC53A, s16;
	s16 =	sadd.s32 $0xC828, s16  }
.LBB2_1:
0x16: {  	s30 =	simm.s32 $0x40;
	s31 =	simm.s32 $0x0  }
.LBB2_2:
0x17: {  	p0 =	sne.s32 s30, $0x9FC0;
	[tilespmem:s31+$0x0] =	vst v0;
	s31 =	smov.u32 s30;
	s30 =	sadd.s32 $0x40, s30  }
.Ltmp0:
0x18: {  	(pc) =	sbr.rel @p0 .LBB2_2-.Ltmp0, $2  }
0x19: {  	_ =	sdelay $0x2  }
0x1a: {  	s31 =	sshra.s32 s31, $0x2  }
0x1b: {  	[tilespmem:s31+$0x0] =	vst v0;
	s30 =	simm.s32 $0x0  }
0x1c: {  	[tilespmem:s17], [sflag:$0x1] =	stream.linear.gather [hbm4b:s12+s30], $0x7D0, $0x38;
	[tilespmem:$0x3000] =	vst v63  }
0x1d: {  	_ =	swait.ge [sflag:s18], $0x7D0  }
0x1e: {  	[sflag:s18] =	ssyncset.done $0x0  }
0x1f: {  	s31 =	simm.s32 $0x0;
	s30 =	simm.s32 $0x40;
	[sflag:s18] =	ssyncadd.s32 $0xFFFFF830  }
.LBB2_4:
0x20: {  	p0 =	sne.s32 s30, $0x1F00;
	v2 =	vld [tilespmem:s31+$0x2800];
	_ =	sdelay $0x3  }
.Ltmp1:
0x21: {  	(pc) =	sbr.rel @p0 .LBB2_4-.Ltmp1, $2  }
0x22: {  	_ =	sdelay $0x2  }
0x23: {  	s31 =	sshra.s32 s30, $0x2;
	s30 =	sadd.s32 $0x40, s30;
	[tilespmem:v2+s2+$0x0] =	vst.idx.add.f32.msk $0xffff, v1  }
0x24: {  	v2 =	vld [tilespmem:s31+$0x2800];
	_ =	sdelay $0x7  }
0x25: {  	s30 =	simm.s32 $0x0;
	[tilespmem:v2+s2+$0x0] =	vst.idx.add.f32.msk $0xffff, v1  }
0x26: {  	[tilespmem:s17], [sflag:$0x1] =	stream.linear.gather [hbm4b:s13+s30], $0x7D0, $0x38;
	[tilespmem:$0x3000] =	vst v63  }
0x27: {  	_ =	swait.ge [sflag:s18], $0x7D0  }
0x28: {  	[sflag:s18] =	ssyncset.done $0x0  }
0x29: {  	s31 =	simm.s32 $0x0;
	s30 =	simm.s32 $0x40;
	[sflag:s18] =	ssyncadd.s32 $0xFFFFF830  }
.LBB2_6:
0x2a: {  	p0 =	sne.s32 s30, $0x1F00;
	v2 =	vld [tilespmem:s31+$0x2800];
	_ =	sdelay $0x3  }
.Ltmp2:
0x2b: {  	(pc) =	sbr.rel @p0 .LBB2_6-.Ltmp2, $2  }
0x2c: {  	_ =	sdelay $0x2  }
0x2d: {  	s31 =	sshra.s32 s30, $0x2;
	s30 =	sadd.s32 $0x40, s30;
	[tilespmem:v2+s2+$0x0] =	vst.idx.add.f32.msk $0xffff, v1  }
0x2e: {  	v2 =	vld [tilespmem:s31+$0x2800];
	_ =	sdelay $0x7  }
0x2f: {  	s30 =	simm.s32 $0x0;
	[tilespmem:v2+s2+$0x0] =	vst.idx.add.f32.msk $0xffff, v1  }
0x30: {  	[tilespmem:s17], [sflag:$0x1] =	stream.linear.gather [hbm4b:s14+s30], $0x7D0, $0x38;
	[tilespmem:$0x3000] =	vst v63  }
0x31: {  	_ =	swait.ge [sflag:s18], $0x7D0  }
0x32: {  	[sflag:s18] =	ssyncset.done $0x0  }
0x33: {  	s31 =	simm.s32 $0x0;
	s30 =	simm.s32 $0x40;
	[sflag:s18] =	ssyncadd.s32 $0xFFFFF830  }
.LBB2_8:
0x34: {  	p0 =	sne.s32 s30, $0x1F00;
	v2 =	vld [tilespmem:s31+$0x2800];
	_ =	sdelay $0x3  }
.Ltmp3:
0x35: {  	(pc) =	sbr.rel @p0 .LBB2_8-.Ltmp3, $2  }
0x36: {  	_ =	sdelay $0x2  }
0x37: {  	s31 =	sshra.s32 s30, $0x2;
	s30 =	sadd.s32 $0x40, s30;
	[tilespmem:v2+s2+$0x0] =	vst.idx.add.f32.msk $0xffff, v1  }
0x38: {  	v2 =	vld [tilespmem:s31+$0x2800];
	_ =	sdelay $0x7  }
0x39: {  	s30 =	simm.s32 $0x0;
	[tilespmem:v2+s2+$0x0] =	vst.idx.add.f32.msk $0xffff, v1  }
0x3a: {  	[tilespmem:s17], [sflag:$0x1] =	stream.linear.gather [hbm4b:s15+s30], $0x7D0, $0x38;
	[tilespmem:$0x3000] =	vst v63  }
0x3b: {  	_ =	swait.ge [sflag:s18], $0x7D0  }
0x3c: {  	[sflag:s18] =	ssyncset.done $0x0  }
0x3d: {  	s31 =	simm.s32 $0x0;
	s30 =	simm.s32 $0x40;
	[sflag:s18] =	ssyncadd.s32 $0xFFFFF830  }
.LBB2_10:
0x3e: {  	p0 =	sne.s32 s30, $0x1F00;
	v2 =	vld [tilespmem:s31+$0x2800];
	_ =	sdelay $0x3  }
.Ltmp4:
0x3f: {  	(pc) =	sbr.rel @p0 .LBB2_10-.Ltmp4, $2  }
0x40: {  	_ =	sdelay $0x2  }
0x41: {  	s31 =	sshra.s32 s30, $0x2;
	s30 =	sadd.s32 $0x40, s30;
	[tilespmem:v2+s2+$0x0] =	vst.idx.add.f32.msk $0xffff, v1  }
0x42: {  	v2 =	vld [tilespmem:s31+$0x2800];
	_ =	sdelay $0x7  }
0x43: {  	s30 =	simm.s32 $0x0;
	[tilespmem:v2+s2+$0x0] =	vst.idx.add.f32.msk $0xffff, v1  }
0x44: {  	[tilespmem:s17], [sflag:$0x1] =	stream.linear.gather [hbm4b:s16+s30], $0x7D0, $0x38;
	[tilespmem:$0x3000] =	vst v63  }
0x45: {  	_ =	swait.ge [sflag:s18], $0x7D0  }
0x46: {  	[sflag:s18] =	ssyncset.done $0x0  }
0x47: {  	s31 =	simm.s32 $0x0;
	s30 =	simm.s32 $0x40;
	[sflag:s18] =	ssyncadd.s32 $0xFFFFF830  }
.LBB2_12:
0x48: {  	p0 =	sne.s32 s30, $0x1F00;
	v2 =	vld [tilespmem:s31+$0x2800];
	_ =	sdelay $0x3  }
.Ltmp5:
0x49: {  	(pc) =	sbr.rel @p0 .LBB2_12-.Ltmp5, $2  }
0x4a: {  	_ =	sdelay $0x2  }
0x4b: {  	s31 =	sshra.s32 s30, $0x2;
	s30 =	sadd.s32 $0x40, s30;
	[tilespmem:v2+s2+$0x0] =	vst.idx.add.f32.msk $0xffff, v1  }
0x4c: {  	v2 =	vld [tilespmem:s31+$0x2800];
	_ =	sdelay $0x7  }
0x4d: {  	[tilespmem:v2+s2+$0x0] =	vst.idx.add.f32.msk $0xffff, v1  }
0x4e: {  	[hbm4b:s3+s19] =	stream.strided.scatter [tilespmem:s2], [sflag:$0x1], $0x500, s20, s19, $0x38;
	[tilespmem:$0x3000] =	vst v63  }
0x4f: {  	_ =	swait.ge [sflag:s18], $0x500  }
0x50: {  	[sflag:s18] =	ssyncset.done $0x0  }
0x51: {  	[sflag:s18] =	ssyncadd.s32 $0xFFFFFB00  }
0x52: {  	[hbm4b:s4+s19] =	stream.strided.scatter [tilespmem:s21], [sflag:$0x1], $0x500, s20, s19, $0x38;
	[tilespmem:$0x3000] =	vst v63  }
0x53: {  	_ =	swait.ge [sflag:s18], $0x500  }
0x54: {  	[sflag:s18] =	ssyncset.done $0x0  }
0x55: {  	[sflag:s18] =	ssyncadd.s32 $0xFFFFFB00  }
0x56: {  	[hbm4b:s5+s19] =	stream.strided.scatter [tilespmem:s22], [sflag:$0x1], $0x500, s20, s19, $0x38;
	[tilespmem:$0x3000] =	vst v63  }
0x57: {  	_ =	swait.ge [sflag:s18], $0x500  }
0x58: {  	[sflag:s18] =	ssyncset.done $0x0  }
0x59: {  	[sflag:s18] =	ssyncadd.s32 $0xFFFFFB00  }
0x5a: {  	[hbm4b:s6+s19] =	stream.strided.scatter [tilespmem:s23], [sflag:$0x1], $0x500, s20, s19, $0x38;
	[tilespmem:$0x3000] =	vst v63  }
0x5b: {  	_ =	swait.ge [sflag:s18], $0x500  }
0x5c: {  	[sflag:s18] =	ssyncset.done $0x0  }
0x5d: {  	[sflag:s18] =	ssyncadd.s32 $0xFFFFFB00  }
0x5e: {  	[hbm4b:s7+s19] =	stream.strided.scatter [tilespmem:s24], [sflag:$0x1], $0x500, s20, s19, $0x38;
	[tilespmem:$0x3000] =	vst v63  }
0x5f: {  	_ =	swait.ge [sflag:s18], $0x500  }
0x60: {  	[sflag:s18] =	ssyncset.done $0x0  }
0x61: {  	[sflag:s18] =	ssyncadd.s32 $0xFFFFFB00  }
0x62: {  	[hbm4b:s8+s19] =	stream.strided.scatter [tilespmem:s25], [sflag:$0x1], $0x500, s20, s19, $0x38;
	[tilespmem:$0x3000] =	vst v63  }
0x63: {  	_ =	swait.ge [sflag:s18], $0x500  }
0x64: {  	[sflag:s18] =	ssyncset.done $0x0  }
0x65: {  	[sflag:s18] =	ssyncadd.s32 $0xFFFFFB00  }
0x66: {  	[hbm4b:s9+s19] =	stream.strided.scatter [tilespmem:s26], [sflag:$0x1], $0x500, s20, s19, $0x38;
	[tilespmem:$0x3000] =	vst v63  }
0x67: {  	s29 =	sadd.s32 $0x1, s29;
	_ =	swait.ge [sflag:s18], $0x500  }
0x68: {  	p0 =	sne.s32 s29, s11;
	[sflag:s18] =	ssyncset.done $0x0  }
.Ltmp6:
0x69: {  	[sflag:s18] =	ssyncadd.s32 $0xFFFFFB00;
	(pc) =	sbr.rel @p0 .LBB2_1-.Ltmp6, $4  }
0x6a: {  	[hbm4b:s10+s19] =	stream.strided.scatter [tilespmem:s28], [sflag:$0x1], $0x500, s20, s19, $0x38;
	[tilespmem:$0x3000] =	vst v63  }
0x6b: {  	_ =	swait.ge [sflag:s18], $0x500  }
0x6c: {  	[sflag:s18] =	ssyncset.done $0x0  }
0x6d: {  	[sflag:s18] =	ssyncadd.s32 $0xFFFFFB00  }
0x6e: {  	_ =	sfence.sel $0x180000  }
0x6f: {  	[bflag:$0x0] =	sbarrier.arrive $0xFFFF  }
0x70: {  	p0 =	sne.s32 s1, $0x0;
	_ =	strace $0x90000047  }
0x71: {  	s0 =	sadd.s32 @!p0 $0x100000, s0;
	[bflag:$0x2] =	sbarrier.arrive $0xFFFF  }
0x72: {  	[sflag:s0] =	ssyncadd.tile.s32 @!p0 $0x1;
	_ =	shalt  }
.Lfunc_end2:
_tile_overlayer_lowered:
.L_overlay_start_2:
0x73: {  	(tag) =	ssettag $0x2  }
0x74: {  	s0 =	rddreg [dreg:$0x0];
	s2 =	stileid.u32  }
0x75: {  	s1 =	rddreg [dreg:$0x1];
	p0 =	sne.s32 s2, $0x0  }
0x76: {  	s3 =	rddreg [dreg:$0x2];
	[bflag:$0x3] =	sbarrier.arrive $0xFFFF;
	s2 =	simm.s32 @!p0 $0x1C01  }
0x77: {  	[timem:s3], [sflag:s2] =	dma.local @!p0 [hbm:s0], s1  }
0x78: {  	s0 =	simm.s32 @!p0 $0x1  }
0x79: {  	_ =	swait.ge @!p0 [sflag:s0], s1  }
0x7a: {  	s1 =	ssub.s32 @!p0 $0x0, s1;
	[sflag:s0] =	ssyncset.done @!p0 $0x0  }
0x7b: {  	[sflag:s0] =	ssyncadd.s32 @!p0 s1  }
0x7c: {  	[bflag:$0x3] =	sbarrier.arrive $0xFFFF  }
0x7d: {  	_ =	shalt  }

// kernel: kernel.9.cloned.1.call-start
scs
__scs_entry_jumppad:
0x0: {  	(pc) =	sbr.rel $0x88, $3  }
0x1: {  	(tag) =	ssettag $0x0;
	lr =	simm.s32 $0x1  }
0x2: {  	[smem:$0x3F9A] =	sst lr;
	_ =	strace $0xD0000000  }
0x3: {  	_ = 	snop  }
0x4: {  	_ = 	snop  }
0x5: {  	_ = 	snop  }
0x6: {  	_ = 	snop  }
0x7: {  	_ = 	snop  }
__scs_overlays_trampoline_lowered:
0x8: {  	[smem:$0x3FA9] =	sst s0  }
0x9: {  	[smem:$0x3FAA] =	sst s1  }
0xa: {  	[smem:$0x3FAB] =	sst s2  }
0xb: {  	[smem:$0x3FAC] =	sst s3  }
0xc: {  	[smem:$0x3FAD] =	sst s4  }
0xd: {  	[smem:$0x3FAE] =	sst s5  }
0xe: {  	[smem:$0x3FAF] =	sst s6  }
0xf: {  	[smem:$0x3FB0] =	sst s7  }
0x10: {  	[smem:$0x3FB1] =	sst s8  }
0x11: {  	[smem:$0x3FB2] =	sst s9;
	s0 =	simm.s32 @!p0 $0x0  }
0x12: {  	s1 =	sld [smem:$0x3F98];
	s0 =	simm.s32 @p0 $0x1  }
0x13: {  	[smem:$0x3FB3] =	sst s0;
	s0 =	simm.s32 @!p1 $0x0  }
0x14: {  	s2 =	sld [smem:$0x3F97];
	s0 =	simm.s32 @p1 $0x1  }
0x15: {  	[smem:$0x3FB4] =	sst s0;
	s0 =	simm.s32 @!p2 $0x0  }
0x16: {  	s3 =	sld [smem:$0x3FDB];
	s0 =	simm.s32 @p2 $0x1  }
0x17: {  	s4 =	simm.s32 $0x1BF5;
	[smem:$0x3FB6] =	sst s0  }
0x18: {  	s0 =	sld [smem:$0x3F99];
	_ =	swait.ge [sflag:s4], $0x0  }
0x19: {  	s7 =	sld [smem:$0x3F9A]  }
0x1a: {  	s8 =	sadd.s32 $0xFFFFE003, lr  }
0x1b: {  	s9 =	sadd.s32 $0xFFFFFEF7, lr;
	s5 =	simm.s32 $0xFFFFFFFF;
	p2 =	slt.u32 s8, $0xFFFFF086  }
0x1c: {  	p1 =	slt.u32 s9, $0xF7A;
	s5 =	simm.s32 @!p2 $0x0  }
0x1d: {  	s5 =	simm.s32 @p1 $0x1;
	p0 =	seq.s32 s7, s2  }
0x1e: {  	s7 =	smul.u32 @!p0 $0xF7A, s2;
	p2 =	seq.s32 @!p0 s5, $0x0  }
0x1f: {  	s9 =	smul.u32 $0xF7A, s1;
	s8 =	simm.s32 @!p0 $0x1BF5;
	p2 =	por !p2, p0  }
0x20: {  	[sflag:s8] =	ssyncset.s32 @!p0 $0xFFFFF086;
	s6 =	sadd.s32 @!p0 s3, s7;
	s7 =	simm.s32 @!p0 $0x108  }
0x21: {  	s3 =	sadd.s32 s3, s9;
	s6 =	sadd.s32 @!p0 $0x88, s6;
	s7 =	simm.s32 @p2 $0x1082  }
0x22: {  	[simem:s7], [sflag:s8] =	dma.local @!p0 [hbm:s6], $0xF7A  }
0x23: {  	s9 =	sor.u32 $0xD0000000, s2;
	s6 =	simm.s32 $0x108;
	_ =	swait.ge @!p0 [sflag:s8], $0x0  }
0x24: {  	s3 =	sadd.s32 $0x88, s3;
	s6 =	simm.s32 @!p1 $0x1082;
	[sflag:s4] =	ssyncset.s32 $0xFFFFF086  }
0x25: {  	[simem:s6], [sflag:s4] =	dma.local [hbm:s3], $0xF7A  }
0x26: {  	[smem:$0x3F9A] =	sst s1;
	(tag) =	ssettag s2;
	_ =	strace s9  }
0x27: {  	s1 =	sld [smem:$0x3FAA]  }
0x28: {  	s2 =	sld [smem:$0x3FAB]  }
0x29: {  	s4 =	sld [smem:$0x3FAD]  }
0x2a: {  	p0 =	seq.s32 s5, $0x0;
	s5 =	sld [smem:$0x3FAE]  }
0x2b: {  	s6 =	sld [smem:$0x3FAF]  }
0x2c: {  	s7 =	sld [smem:$0x3FB0]  }
0x2d: {  	s3 =	simm.s32 $0x108;
	s8 =	sld [smem:$0x3FB1]  }
0x2e: {  	s3 =	simm.s32 @!p0 $0x1082;
	s9 =	sld [smem:$0x3FB2]  }
0x2f: {  	lr =	sadd.s32 s0, s3;
	s0 =	sld [smem:$0x3FA9]  }
0x30: {  	s3 =	sld [smem:$0x3FAC]  }
0x31: {  	[smem:$0x3FB5] =	sst s10  }
0x32: {  	s10 =	sld [smem:$0x3FB3];
	_ =	sdelay $0x3  }
0x33: {  	p0 =	seq.s32 s10, $0x1;
	s10 =	sld [smem:$0x3FB5];
	_ =	sdelay $0x3  }
0x34: {  	[smem:$0x3FB5] =	sst s10  }
0x35: {  	s10 =	sld [smem:$0x3FB4];
	_ =	sdelay $0x3  }
0x36: {  	p1 =	seq.s32 s10, $0x1;
	s10 =	sld [smem:$0x3FB5];
	_ =	sdelay $0x3  }
0x37: {  	[smem:$0x3FB5] =	sst s10  }
0x38: {  	s10 =	sld [smem:$0x3FB6]  }
0x39: {  	_ = 	snop;
	(pc) =	sbr.ind lr, $3  }
0x3a: {  	_ = 	snop  }
0x3b: {  	_ = 	snop  }
0x3c: {  	p2 =	seq.s32 s10, $0x1;
	s10 =	sld [smem:$0x3FB5]  }
0x3d: {  	_ =	shalt  }
0x3e: {  	_ =	shalt  }
0x3f: {  	_ =	shalt  }
0x40: {  	_ =	shalt  }
0x41: {  	_ =	shalt  }
0x42: {  	_ =	shalt  }
0x43: {  	_ =	shalt  }
0x44: {  	_ =	shalt  }
0x45: {  	_ =	shalt  }
0x46: {  	_ =	shalt  }
0x47: {  	_ =	shalt  }
0x48: {  	_ =	shalt  }
0x49: {  	_ =	shalt  }
0x4a: {  	_ =	shalt  }
0x4b: {  	_ =	shalt  }
0x4c: {  	_ =	shalt  }
0x4d: {  	_ =	shalt  }
0x4e: {  	_ =	shalt  }
0x4f: {  	_ =	shalt  }
0x50: {  	_ =	shalt  }
0x51: {  	_ =	shalt  }
0x52: {  	_ =	shalt  }
0x53: {  	_ =	shalt  }
0x54: {  	_ =	shalt  }
0x55: {  	_ =	shalt  }
0x56: {  	_ =	shalt  }
0x57: {  	_ =	shalt  }
0x58: {  	_ =	shalt  }
0x59: {  	_ =	shalt  }
0x5a: {  	_ =	shalt  }
0x5b: {  	_ =	shalt  }
0x5c: {  	_ =	shalt  }
0x5d: {  	_ =	shalt  }
0x5e: {  	_ =	shalt  }
0x5f: {  	_ =	shalt  }
0x60: {  	_ =	shalt  }
0x61: {  	_ =	shalt  }
0x62: {  	_ =	shalt  }
0x63: {  	_ =	shalt  }
0x64: {  	_ =	shalt  }
0x65: {  	_ =	shalt  }
0x66: {  	_ =	shalt  }
0x67: {  	_ =	shalt  }
0x68: {  	_ =	shalt  }
0x69: {  	_ =	shalt  }
0x6a: {  	_ =	shalt  }
0x6b: {  	_ =	shalt  }
0x6c: {  	_ =	shalt  }
0x6d: {  	_ =	shalt  }
0x6e: {  	_ =	shalt  }
0x6f: {  	_ =	shalt  }
0x70: {  	_ =	shalt  }
0x71: {  	_ =	shalt  }
0x72: {  	_ =	shalt  }
0x73: {  	_ =	shalt  }
0x74: {  	_ =	shalt  }
0x75: {  	_ =	shalt  }
0x76: {  	_ =	shalt  }
0x77: {  	_ =	shalt  }
0x78: {  	_ =	shalt  }
0x79: {  	_ =	shalt  }
0x7a: {  	_ =	shalt  }
0x7b: {  	_ =	shalt  }
0x7c: {  	_ =	shalt  }
0x7d: {  	_ =	shalt  }
0x7e: {  	_ =	shalt  }
0x7f: {  	_ =	shalt  }
0x80: {  	_ =	shalt  }
0x81: {  	_ =	shalt  }
0x82: {  	_ =	shalt  }
0x83: {  	_ =	shalt  }
0x84: {  	_ =	shalt  }
0x85: {  	_ =	shalt  }
0x86: {  	_ =	shalt  }
0x87: {  	_ =	shalt  }
.Lfunc_end0:
.L_simem_size_0:
called_computation.1_lowered:
.L_overlay_start_0:
0x88: {  	s2 =	sld [smem:$0x3FD9]  }
0x89: {  	s3 =	sld [smem:$0x3FFE];
	_ =	sdelay $0x1  }
0x8a: {  	s1 =	srdreg.scid  }
0x8b: {  	s0 =	sand.u32 $0x1, s1  }
0x8c: {  	s17 =	sshll.u32 s0, $0xA;
	s2 =	sadd.s32 s3, s2  }
0x8d: {  	s2 =	sadd.s32 s2, s17  }
0x8e: {  	[smem:$0x3FC1] =	sst s2  }
0x8f: {  	_ = 	snop  }
0x90: {  	s2 =	sld [smem:$0x3FD0];
	(tm) =	ssettm $0x1  }
0x91: {  	s18 =	sld [smem:$0x3FFB];
	_ =	sdelay $0x3  }
0x92: {  	_ =	strace s18  }
0x93: {  	s3 =	sld [smem:$0x3FFC];
	_ =	sdelay $0x3  }
0x94: {  	_ =	strace s3  }
0x95: {  	s3 =	sld [smem:$0x3FFD];
	_ =	sdelay $0x3  }
0x96: {  	_ =	strace s3  }
0x97: {  	_ =	strace $0x8FFFFFFF  }
0x98: {  	s19 =	sld [smem:$0x3FDB];
	_ =	sdelay $0x1  }
0x99: {  	s4 =	simm.s32 $_scs_section_size  }
0x9a: {  	s5 =	simm.s32 $_size__tile_overlayer_lowered;
	s6 =	simm.s32 $_tile_overlayer_lowered  }
0x9b: {  	s22 =	simm.s32 $0x1BFF;
	s21 =	sshll.u32 s6, $0x1;
	s3 =	sadd.s32 s4, s19  }
0x9c: {  	s7 =	simm.s32 $0x0;
	s20 =	sshll.u32 s5, $0x1;
	s5 =	sadd.s32 s21, s3  }
0x9d: {  	[timem:s7], [sflag:s22] =	dma.local [hbm:s5], s20  }
0x9e: {  	_ =	swait.ge [sflag:s22], s20  }
0x9f: {  	s4 =	ssub.s32 $0x0, s20;
	[sflag:s22] =	ssyncset.done $0x0  }
0xa0: {  	[sflag:s22] =	ssyncadd.s32 s4;
	_ =	sdelay $0x1  }
0xa1: {  	s23 =	simm.s32 $0x1B8B  }
0xa2: {  	_ =	swait.ge [sflag:s23], $0x1  }
0xa3: {  	[sflag:s23] =	ssyncset.done $0x0  }
0xa4: {  	s25 =	simm.s32 $0x1B8E;
	s24 =	sld [smem:$0x3FFE];
	[sflag:s23] =	ssyncadd.s32 $0xFFFFFFFF  }
0xa5: {  	s26 =	simm.s32 $execute0_lowered;
	[smem:$0x3FD2] =	sst s25  }
0xa6: {  	s5 =	sshll.u32 s26, $0x1;
	_ =	strace $0x80000049;
	[dreg:$0x1] =	wrdreg $0xFFFFFFFF  }
0xa7: {  	s28 =	simm.s32 $_size_execute0_lowered;
	s3 =	sadd.s32 s3, s5;
	[dreg:$0x0] =	wrdreg $0x0  }
0xa8: {  	s5 =	sshll.u32 s28, $0x1;
	[dreg:$0x2] =	wrdreg s3  }
0xa9: {  	[dreg:$0x3] =	wrdreg s5  }
0xaa: {  	[dreg:$0x4] =	wrdreg $0xC0  }
0xab: {  	_ =	task [dreg:s7], $0x5FFFF  }
0xac: {  	[dreg:$0x1] =	wrdreg $0xFFFFFFFF  }
0xad: {  	[dreg:$0x0] =	wrdreg $0x60  }
0xae: {  	[dreg:$0x2] =	wrdreg s24  }
0xaf: {  	[dreg:$0x3] =	wrdreg s2  }
0xb0: {  	[dreg:$0x4] =	wrdreg $0x0  }
0xb1: {  	[dreg:$0x5] =	wrdreg $0x9  }
0xb2: {  	_ =	task.clear_ibuf [dreg:s7], $0x6FFFF;
	_ =	strace $0x90000049  }
0xb3: {  	s29 =	simm.s32 $0x9;
	_ =	strace $0x8000004B  }
0xb4: {  	_ =	swait.ge [sflag:s29], $0x1  }
0xb5: {  	[sflag:s29] =	ssyncadd.s32 $0xFFFFFFFF  }
0xb6: {  	_ =	strace $0x9000004B  }
0xb7: {  	_ =	sfence  }
0xb8: {  	s30 =	sld [smem:$0x0];
	_ =	sdelay $0x2  }
0xb9: {  	s31 =	sshll.u32 s1, $0xD;
	s1 =	sshrl.u32 s1, $0x2  }
0xba: {  	s3 =	sand.u32 $0x4000, s31;
	s1 =	sadd.s32 s1, s30  }
0xbb: {  	s0 =	sor.u32 s3, s0;
	s1 =	sshll.u32 s1, $0x11  }
0xbc: {  	s0 =	sor.u32 s1, s0  }
0xbd: {  	s0 =	sadd.s32 $0x8F2B, s0  }
0xbe: {  	[sflag:s0] =	ssyncadd.remote.s32 $0x1  }
0xbf: {  	_ =	sfence.sel $0xFFFF  }
0xc0: {  	[dreg:$0x0] =	wrdreg $0xFFFFFFFF;
	(pc) =	sbr.abs _section_cstart, $3  }
0xc1: {  	[dreg:$0x1] =	wrdreg $0xFFFFFFFF  }
0xc2: {  	_ =	task.clear_ibuf [dreg:s7], $0x2FFFF;
	_ =	strace $0x9FFFFFFF  }
0xc3: {  	(tm) =	ssettm $0x7FFFFFFF  }
tec
execute0_lowered:
.L_overlay_start_1:
0x0: {  	(tag) =	ssettag $0x1  }
0x1: {  	s5 =	rddreg [dreg:$0x0]  }
0x2: {  	s9 =	rddreg [dreg:$0x1]  }
0x3: {  	s1 =	rddreg [dreg:$0x2]  }
0x4: {  	s3 =	simm.s32 $0x0;
	s4 =	srdreg.scid;
	s2 =	stileid.u32  }
0x5: {  	s14 =	simm.s32 $0x14800;
	s15 =	simm.s32 $0x50;
	s16 =	simm.s32 $0x15080  }
0x6: {  	s17 =	simm.s32 $0x14050;
	s18 =	simm.s32 $0x17880;
	s19 =	simm.s32 $0x140A0  }
0x7: {  	s20 =	simm.s32 $0x1A080;
	s21 =	simm.s32 $0x1;
	s22 =	simm.s32 $0x15000  }
0x8: {  	s23 =	simm.s32 $0x2;
	s24 =	simm.s32 $0x140F0;
	s25 =	simm.s32 $0x14140  }
0x9: {  	[smem:$0x7FF] =	sst s3;
	s6 =	sand.u32 $0x1, s4;
	s8 =	smul.u32 $0x50000, s2  }
0xa: {  	s4 =	sadd.s32 $0x16200, s5;
	s5 =	sadd.s32 $0x2800, s5;
	s11 =	smul.u32 $0x14000, s2  }
0xb: {  	s31 =	sshll.u32 s2, $0x6;
	_ =	strace $0x8000004A;
	s7 =	ssub.s32 $0x2, s6  }
0xc: {  	s12 =	sshll.u32 s6, $0x4;
	s6 =	smul.u32 $0x140000, s6;
	s10 =	sshrl.u32 s7, $0x1  }
0xd: {  	s8 =	sshrl.u32 s8, $0x2;
	s29 =	sor.u32 s2, s12;
	s30 =	sshrl.u32 s11, $0x3  }
0xe: {  	s12 =	simm.s32 $0x3;
	s10 =	ssub.s32 s7, s10;
	s13 =	sadd.s32 s8, s1  }
0xf: {  	s11 =	sadd.s32 s11, s6;
	s6 =	sadd.s32 s4, s30;
	s7 =	sor.u32 $0x1C03, s31  }
0x10: {  	s8 =	smul.u32 $0x2710, s29;
	s11 =	sshrl.u32 s11, $0x3;
	s10 =	smax.u32 s10, $0x1  }
0x11: {  	s9 =	sadd.s32 s9, s11;
	s11 =	sshrl.u32 s13, $0x3;
	s13 =	simm.s32 $0x14000  }
.LBB2_1:
0x12: {  	[spmem:s11], [sflag:s7] =	dma.local [hbm:s6], $0x2800  }
0x13: {  	_ =	swait.ge [sflag:s12], $0x2800  }
0x14: {  	[sflag:s12] =	ssyncset.done $0x0  }
0x15: {  	[sflag:s12] =	ssyncadd.s32 $0xFFFFD800  }
0x16: {  	s26 =	simm.s32 $0x0;
	[bflag:$0x0] =	sbarrier.arrive $0xFFFF  }
.LBB2_2:
0x17: {  	s28 =	smul.u32 $0x7D0, s26;
	_ =	sdelay $0x1  }
0x18: {  	s28 =	sadd.s32 s8, s28  }
0x19: {  	s28 =	sshrl.u32 s28, $0x3  }
0x1a: {  	s29 =	simm.s32 $0x0;
	s28 =	sadd.s32 s5, s28  }
0x1b: {  	[tilespmem:s13], [sflag:$0x3] =	stream.linear.gather [hbm4b:s28+s29], $0x7D0, $0x38;
	[tilespmem:$0x1C880] =	vst v63  }
0x1c: {  	_ =	swait.ge [sflag:s12], $0x7D0  }
0x1d: {  	[sflag:s12] =	ssyncset.done $0x0  }
0x1e: {  	s28 =	sadd.s32 $0x9C40, s28;
	[sflag:s12] =	ssyncadd.s32 $0xFFFFF830  }
0x1f: {  	[tilespmem:s14], [sflag:$0x3] =	stream.linear.gather [hbm4b:s28+s29], $0x7D0, $0x38;
	[tilespmem:$0x1C880] =	vst v63  }
0x20: {  	_ =	swait.ge [sflag:s12], $0x7D0  }
0x21: {  	[sflag:s12] =	ssyncset.done $0x0  }
0x22: {  	[sflag:s12] =	ssyncadd.s32 $0xFFFFF830  }
0x23: {  	[tilespmem:s16], [sflag:$0x1] =	stream.indirect.gather [hbm4b:s4+s15], $0x80, s13, s15, $0xb8;
	[tilespmem:$0x1C880] =	vst v63  }
0x24: {  	_ = 	snop  }
0x25: {  	[tilespmem:s18], [sflag:$0x1] =	stream.indirect.gather [hbm4b:s4+s15], $0x80, s17, s15, $0xb8;
	[tilespmem:$0x1C880] =	vst v63  }
0x26: {  	_ = 	snop  }
0x27: {  	[tilespmem:s20], [sflag:$0x1] =	stream.indirect.gather [hbm4b:s4+s15], $0x80, s19, s15, $0xb8;
	[tilespmem:$0x1C880] =	vst v63  }
0x28: {  	_ =	swait.ge [sflag:s21], $0x2800  }
0x29: {  	[sflag:s21] =	ssyncset.done $0x0  }
0x2a: {  	[sflag:s21] =	ssyncadd.s32 $0xFFFFD800  }
0x2b: {  	v0 =	vld [tilespmem:$0x14800]  }
0x2c: {  	v1 =	vld [tilespmem:$0x14810]  }
0x2d: {  	v2 =	vld [tilespmem:$0x14820]  }
0x2e: {  	v3 =	vld [tilespmem:$0x14830]  }
0x2f: {  	v4 =	vld [tilespmem:$0x14840]  }
0x30: {  	[tilespmem:$0x15000] =	vst v0  }
0x31: {  	[tilespmem:$0x15010] =	vst v1  }
0x32: {  	[tilespmem:$0x15020] =	vst v2  }
0x33: {  	[tilespmem:$0x15030] =	vst v3  }
0x34: {  	[tilespmem:$0x15040] =	vst v4  }
0x35: {  	[spmem:s1] =	stream.indirect.scatter.add.f32 [tilespmem:s16], [sflag:$0x2], $0x80, s22, s15, $0xb8;
	[tilespmem:$0x1C880] =	vst v63  }
0x36: {  	_ =	swait.ge [sflag:s23], $0x2800  }
0x37: {  	[sflag:s23] =	ssyncset.done $0x0  }
0x38: {  	[sflag:s23] =	ssyncadd.s32 $0xFFFFD800  }
0x39: {  	[tilespmem:s16], [sflag:$0x1] =	stream.indirect.gather [hbm4b:s4+s15], $0x80, s24, s15, $0xb8;
	[tilespmem:$0x1C880] =	vst v63  }
0x3a: {  	_ =	swait.ge [sflag:s21], $0x2800  }
0x3b: {  	[sflag:s21] =	ssyncset.done $0x0  }
0x3c: {  	[sflag:s21] =	ssyncadd.s32 $0xFFFFD800  }
0x3d: {  	v51 =	vld [tilespmem:$0x14850]  }
0x3e: {  	v52 =	vld [tilespmem:$0x14860]  }
0x3f: {  	v53 =	vld [tilespmem:$0x14870]  }
0x40: {  	v54 =	vld [tilespmem:$0x14880]  }
0x41: {  	v55 =	vld [tilespmem:$0x14890]  }
0x42: {  	[tilespmem:$0x15000] =	vst v51  }
0x43: {  	[tilespmem:$0x15010] =	vst v52  }
0x44: {  	[tilespmem:$0x15020] =	vst v53  }
0x45: {  	[tilespmem:$0x15030] =	vst v54  }
0x46: {  	[tilespmem:$0x15040] =	vst v55  }
0x47: {  	[spmem:s1] =	stream.indirect.scatter.add.f32 [tilespmem:s18], [sflag:$0x2], $0x80, s22, s15, $0xb8;
	[tilespmem:$0x1C880] =	vst v63  }
0x48: {  	_ =	swait.ge [sflag:s23], $0x2800  }
0x49: {  	[sflag:s23] =	ssyncset.done $0x0  }
0x4a: {  	[sflag:s23] =	ssyncadd.s32 $0xFFFFD800  }
0x4b: {  	[tilespmem:s18], [sflag:$0x1] =	stream.indirect.gather [hbm4b:s4+s15], $0x80, s25, s15, $0xb8;
	[tilespmem:$0x1C880] =	vst v63  }
0x4c: {  	_ =	swait.ge [sflag:s21], $0x2800  }
0x4d: {  	[sflag:s21] =	ssyncset.done $0x0  }
0x4e: {  	[sflag:s21] =	ssyncadd.s32 $0xFFFFD800  }
0x4f: {  	v56 =	vld [tilespmem:$0x148A0]  }
0x50: {  	v57 =	vld [tilespmem:$0x148B0]  }
0x51: {  	v58 =	vld [tilespmem:$0x148C0]  }
0x52: {  	v59 =	vld [tilespmem:$0x148D0]  }
0x53: {  	v60 =	vld [tilespmem:$0x148E0]  }
0x54: {  	[tilespmem:$0x15000] =	vst v56  }
0x55: {  	[tilespmem:$0x15010] =	vst v57  }
0x56: {  	[tilespmem:$0x15020] =	vst v58  }
0x57: {  	[tilespmem:$0x15030] =	vst v59  }
0x58: {  	[tilespmem:$0x15040] =	vst v60  }
0x59: {  	[spmem:s1] =	stream.indirect.scatter.add.f32 [tilespmem:s20], [sflag:$0x2], $0x80, s22, s15, $0xb8;
	[tilespmem:$0x1C880] =	vst v63  }
0x5a: {  	_ =	swait.ge [sflag:s23], $0x2800  }
0x5b: {  	[sflag:s23] =	ssyncset.done $0x0  }
0x5c: {  	s28 =	simm.s32 $0x14190;
	[sflag:s23] =	ssyncadd.s32 $0xFFFFD800  }
0x5d: {  	[tilespmem:s20], [sflag:$0x1] =	stream.indirect.gather [hbm4b:s4+s15], $0x80, s28, s15, $0xb8;
	[tilespmem:$0x1C880] =	vst v63  }
0x5e: {  	_ =	swait.ge [sflag:s21], $0x2800  }
0x5f: {  	[sflag:s21] =	ssyncset.done $0x0  }
0x60: {  	s28 =	simm.s32 $0x0;
	[sflag:s21] =	ssyncadd.s32 $0xFFFFD800  }
0x61: {  	v61 =	vld [tilespmem:s28+$0x148F0];
	_ =	sdelay $0x4  }
0x62: {  	[tilespmem:$0x15000] =	vst v61  }
0x63: {  	v0 =	vld [tilespmem:s28+$0x14900];
	_ =	sdelay $0x4  }
0x64: {  	[tilespmem:$0x15010] =	vst v0  }
0x65: {  	v0 =	vld [tilespmem:s28+$0x14910];
	_ =	sdelay $0x4  }
0x66: {  	[tilespmem:$0x15020] =	vst v0  }
0x67: {  	v0 =	vld [tilespmem:s28+$0x14920];
	_ =	sdelay $0x4  }
0x68: {  	[tilespmem:$0x15030] =	vst v0  }
0x69: {  	v0 =	vld [tilespmem:s28+$0x14930];
	_ =	sdelay $0x4  }
0x6a: {  	[tilespmem:$0x15040] =	vst v0  }
0x6b: {  	[spmem:s1] =	stream.indirect.scatter.add.f32 [tilespmem:s16], [sflag:$0x2], $0x80, s22, s15, $0xb8;
	[tilespmem:$0x1C880] =	vst v63  }
0x6c: {  	_ =	swait.ge [sflag:s23], $0x2800  }
0x6d: {  	[sflag:s23] =	ssyncset.done $0x0  }
0x6e: {  	s29 =	simm.s32 $0x141E0;
	[sflag:s23] =	ssyncadd.s32 $0xFFFFD800  }
0x6f: {  	[tilespmem:s16], [sflag:$0x1] =	stream.indirect.gather [hbm4b:s4+s15], $0x80, s29, s15, $0xb8;
	[tilespmem:$0x1C880] =	vst v63  }
0x70: {  	_ =	swait.ge [sflag:s21], $0x2800  }
0x71: {  	[sflag:s21] =	ssyncset.done $0x0  }
0x72: {  	[sflag:s21] =	ssyncadd.s32 $0xFFFFD800  }
0x73: {  	v62 =	vld [tilespmem:s28+$0x14940];
	_ =	sdelay $0x4  }
0x74: {  	[tilespmem:$0x15000] =	vst v62  }
0x75: {  	v0 =	vld [tilespmem:s28+$0x14950];
	_ =	sdelay $0x4  }
0x76: {  	[tilespmem:$0x15010] =	vst v0  }
0x77: {  	v0 =	vld [tilespmem:s28+$0x14960];
	_ =	sdelay $0x1  }
0x78: {  	s29 =	simm.s32 $0x3C0  }
0x79: {  	s29 =	sand.u32 $0xFFFFFE00, s29  }
0x7a: {  	s29 =	sadd.s32 $0x3C0, s29  }
0x7b: {  	s29 =	sshra.s32 s29, $0x2;
	[tilespmem:$0x15020] =	vst v0  }
0x7c: {  	v0 =	vld [tilespmem:s29+$0x14800];
	_ =	sdelay $0x4  }
0x7d: {  	[tilespmem:$0x15030] =	vst v0  }
0x7e: {  	v0 =	vld [tilespmem:s28+$0x14980];
	_ =	sdelay $0x4  }
0x7f: {  	[tilespmem:$0x15040] =	vst v0  }
0x80: {  	[spmem:s1] =	stream.indirect.scatter.add.f32 [tilespmem:s18], [sflag:$0x2], $0x80, s22, s15, $0xb8;
	[tilespmem:$0x1C880] =	vst v63  }
0x81: {  	_ =	swait.ge [sflag:s23], $0x2800  }
0x82: {  	[sflag:s23] =	ssyncset.done $0x0  }
0x83: {  	s29 =	simm.s32 $0x14230;
	[sflag:s23] =	ssyncadd.s32 $0xFFFFD800  }
0x84: {  	[tilespmem:s18], [sflag:$0x1] =	stream.indirect.gather [hbm4b:s4+s15], $0x80, s29, s15, $0xb8;
	[tilespmem:$0x1C880] =	vst v63  }
0x85: {  	_ =	swait.ge [sflag:s21], $0x2800  }
0x86: {  	[sflag:s21] =	ssyncset.done $0x0  }
0x87: {  	[sflag:s21] =	ssyncadd.s32 $0xFFFFD800  }
0x88: {  	v63 =	vld [tilespmem:s28+$0x14990];
	_ =	sdelay $0x4  }
0x89: {  	[tilespmem:$0x15000] =	vst v63  }
0x8a: {  	v0 =	vld [tilespmem:s28+$0x149A0];
	_ =	sdelay $0x4  }
0x8b: {  	[tilespmem:$0x15010] =	vst v0  }
0x8c: {  	v0 =	vld [tilespmem:s28+$0x149B0];
	_ =	sdelay $0x4  }
0x8d: {  	[tilespmem:$0x15020] =	vst v0  }
0x8e: {  	v0 =	vld [tilespmem:s28+$0x149C0];
	_ =	sdelay $0x4  }
0x8f: {  	[tilespmem:$0x15030] =	vst v0  }
0x90: {  	v0 =	vld [tilespmem:s28+$0x149D0];
	_ =	sdelay $0x4  }
0x91: {  	s30 =	simm.s32 $0x380;
	s29 =	simm.s32 $0x1E0;
	s28 =	simm.s32 $0x3C0;
	[tilespmem:$0x15040] =	vst v0  }
.LBB2_3:
0x92: {  	[spmem:s1] =	stream.indirect.scatter.add.f32 [tilespmem:s20], [sflag:$0x2], $0x80, s22, s15, $0xb8;
	[tilespmem:$0x1C880] =	vst v63  }
0x93: {  	s31 =	smov.u32 s28;
	s28 =	sadd.s32 $0x3C0, s28;
	_ =	swait.ge [sflag:s23], $0x2800  }
0x94: {  	s31 =	sshra.s32 s31, $0x2;
	p0 =	sne.s32 s28, $0x1680;
	[sflag:s23] =	ssyncset.done $0x0  }
0x95: {  	s0 =	sadd.s32 $0x14190, s31;
	[sflag:s23] =	ssyncadd.s32 $0xFFFFD800  }
0x96: {  	[tilespmem:s20], [sflag:$0x1] =	stream.indirect.gather [hbm4b:s4+s15], $0x80, s0, s15, $0xb8;
	[tilespmem:$0x1C880] =	vst v63  }
0x97: {  	_ =	swait.ge [sflag:s21], $0x2800  }
0x98: {  	[sflag:s21] =	ssyncset.done $0x0  }
0x99: {  	[sflag:s21] =	ssyncadd.s32 $0xFFFFD800  }
0x9a: {  	v0 =	vld [tilespmem:s31+$0x148F0];
	_ =	sdelay $0x4  }
0x9b: {  	[tilespmem:$0x15000] =	vst v0  }
0x9c: {  	v0 =	vld [tilespmem:s31+$0x14900];
	_ =	sdelay $0x4  }
0x9d: {  	[tilespmem:$0x15010] =	vst v0  }
0x9e: {  	v0 =	vld [tilespmem:s31+$0x14910];
	_ =	sdelay $0x4  }
0x9f: {  	[tilespmem:$0x15020] =	vst v0  }
0xa0: {  	v0 =	vld [tilespmem:s31+$0x14920];
	_ =	sdelay $0x4  }
0xa1: {  	[tilespmem:$0x15030] =	vst v0  }
0xa2: {  	v0 =	vld [tilespmem:s31+$0x14930];
	_ =	sdelay $0x4  }
0xa3: {  	[tilespmem:$0x15040] =	vst v0  }
0xa4: {  	[spmem:s1] =	stream.indirect.scatter.add.f32 [tilespmem:s16], [sflag:$0x2], $0x80, s22, s15, $0xb8;
	[tilespmem:$0x1C880] =	vst v63  }
0xa5: {  	_ =	swait.ge [sflag:s23], $0x2800  }
0xa6: {  	[sflag:s23] =	ssyncset.done $0x0  }
0xa7: {  	s0 =	sadd.s32 $0x141E0, s31;
	[sflag:s23] =	ssyncadd.s32 $0xFFFFD800  }
0xa8: {  	[tilespmem:s16], [sflag:$0x1] =	stream.indirect.gather [hbm4b:s4+s15], $0x80, s0, s15, $0xb8;
	[tilespmem:$0x1C880] =	vst v63  }
0xa9: {  	_ =	swait.ge [sflag:s21], $0x2800  }
0xaa: {  	[sflag:s21] =	ssyncset.done $0x0  }
0xab: {  	[sflag:s21] =	ssyncadd.s32 $0xFFFFD800  }
0xac: {  	v0 =	vld [tilespmem:s31+$0x14940];
	_ =	sdelay $0x4  }
0xad: {  	[tilespmem:$0x15000] =	vst v0  }
0xae: {  	v0 =	vld [tilespmem:s31+$0x14950];
	_ =	sdelay $0x4  }
0xaf: {  	[tilespmem:$0x15010] =	vst v0  }
0xb0: {  	v0 =	vld [tilespmem:s31+$0x14960];
	_ =	sdelay $0x1  }
0xb1: {  	s0 =	sshll.u32 s29, $0x2  }
0xb2: {  	s0 =	sand.u32 $0xFFFFFE00, s0  }
0xb3: {  	s0 =	sadd.s32 s0, s30  }
0xb4: {  	s0 =	sshra.s32 s0, $0x2;
	[tilespmem:$0x15020] =	vst v0  }
0xb5: {  	v0 =	vld [tilespmem:s0+$0x14800];
	_ =	sdelay $0x4  }
0xb6: {  	[tilespmem:$0x15030] =	vst v0  }
0xb7: {  	v0 =	vld [tilespmem:s31+$0x14980];
	_ =	sdelay $0x4  }
0xb8: {  	[tilespmem:$0x15040] =	vst v0  }
0xb9: {  	[spmem:s1] =	stream.indirect.scatter.add.f32 [tilespmem:s18], [sflag:$0x2], $0x80, s22, s15, $0xb8;
	[tilespmem:$0x1C880] =	vst v63  }
0xba: {  	_ =	swait.ge [sflag:s23], $0x2800  }
0xbb: {  	[sflag:s23] =	ssyncset.done $0x0  }
0xbc: {  	s0 =	sadd.s32 $0x14230, s31;
	[sflag:s23] =	ssyncadd.s32 $0xFFFFD800  }
0xbd: {  	[tilespmem:s18], [sflag:$0x1] =	stream.indirect.gather [hbm4b:s4+s15], $0x80, s0, s15, $0xb8;
	[tilespmem:$0x1C880] =	vst v63  }
0xbe: {  	_ =	swait.ge [sflag:s21], $0x2800  }
0xbf: {  	[sflag:s21] =	ssyncset.done $0x0  }
0xc0: {  	[sflag:s21] =	ssyncadd.s32 $0xFFFFD800  }
0xc1: {  	v0 =	vld [tilespmem:s31+$0x14990];
	_ =	sdelay $0x4  }
0xc2: {  	[tilespmem:$0x15000] =	vst v0  }
0xc3: {  	v0 =	vld [tilespmem:s31+$0x149A0];
	_ =	sdelay $0x4  }
0xc4: {  	[tilespmem:$0x15010] =	vst v0  }
0xc5: {  	v0 =	vld [tilespmem:s31+$0x149B0];
	_ =	sdelay $0x4  }
0xc6: {  	[tilespmem:$0x15020] =	vst v0  }
0xc7: {  	v0 =	vld [tilespmem:s31+$0x149C0];
	_ =	sdelay $0x4  }
0xc8: {  	[tilespmem:$0x15030] =	vst v0  }
0xc9: {  	v0 =	vld [tilespmem:s31+$0x149D0]  }
.Ltmp0:
0xca: {  	(pc) =	sbr.rel @p0 .LBB2_3-.Ltmp0, $2  }
0xcb: {  	_ =	sdelay $0x2  }
0xcc: {  	s29 =	sadd.s32 $0xF0, s29;
	s30 =	sadd.s32 $0xFFFFFFC0, s30;
	[tilespmem:$0x15040] =	vst v0  }
0xcd: {  	[spmem:s1] =	stream.indirect.scatter.add.f32 [tilespmem:s20], [sflag:$0x2], $0x80, s22, s15, $0xb8;
	[tilespmem:$0x1C880] =	vst v63  }
0xce: {  	_ =	swait.ge [sflag:s23], $0x2800  }
0xcf: {  	s0 =	sshra.s32 s28, $0x2;
	[sflag:s23] =	ssyncset.done $0x0  }
0xd0: {  	s28 =	sadd.s32 $0x14190, s0;
	[sflag:s23] =	ssyncadd.s32 $0xFFFFD800  }
0xd1: {  	[tilespmem:s20], [sflag:$0x1] =	stream.indirect.gather [hbm4b:s4+s15], $0x80, s28, s15, $0xb8;
	[tilespmem:$0x1C880] =	vst v63  }
0xd2: {  	_ =	swait.ge [sflag:s21], $0x2800  }
0xd3: {  	[sflag:s21] =	ssyncset.done $0x0  }
0xd4: {  	[sflag:s21] =	ssyncadd.s32 $0xFFFFD800  }
0xd5: {  	v0 =	vld [tilespmem:s0+$0x148F0];
	_ =	sdelay $0x4  }
0xd6: {  	[tilespmem:$0x15000] =	vst v0  }
0xd7: {  	v0 =	vld [tilespmem:s0+$0x14900];
	_ =	sdelay $0x4  }
0xd8: {  	[tilespmem:$0x15010] =	vst v0  }
0xd9: {  	v0 =	vld [tilespmem:s0+$0x14910];
	_ =	sdelay $0x4  }
0xda: {  	[tilespmem:$0x15020] =	vst v0  }
0xdb: {  	v0 =	vld [tilespmem:s0+$0x14920];
	_ =	sdelay $0x4  }
0xdc: {  	[tilespmem:$0x15030] =	vst v0  }
0xdd: {  	v0 =	vld [tilespmem:s0+$0x14930];
	_ =	sdelay $0x4  }
0xde: {  	[tilespmem:$0x15040] =	vst v0  }
0xdf: {  	[spmem:s1] =	stream.indirect.scatter.add.f32 [tilespmem:s16], [sflag:$0x2], $0x80, s22, s15, $0xb8;
	[tilespmem:$0x1C880] =	vst v63  }
0xe0: {  	_ =	swait.ge [sflag:s23], $0x2800  }
0xe1: {  	[sflag:s23] =	ssyncset.done $0x0  }
0xe2: {  	s31 =	sadd.s32 $0x141E0, s0;
	[sflag:s23] =	ssyncadd.s32 $0xFFFFD800  }
0xe3: {  	[tilespmem:s16], [sflag:$0x1] =	stream.indirect.gather [hbm4b:s4+s15], $0x80, s31, s15, $0xb8;
	[tilespmem:$0x1C880] =	vst v63  }
0xe4: {  	_ =	swait.ge [sflag:s21], $0x2800  }
0xe5: {  	[sflag:s21] =	ssyncset.done $0x0  }
0xe6: {  	[sflag:s21] =	ssyncadd.s32 $0xFFFFD800  }
0xe7: {  	v60 =	vld [tilespmem:s0+$0x14940];
	_ =	sdelay $0x4  }
0xe8: {  	[tilespmem:$0x15000] =	vst v60  }
0xe9: {  	v0 =	vld [tilespmem:s0+$0x14950];
	_ =	sdelay $0x4  }
0xea: {  	v1 =	vld [tilespmem:$0x14F10];
	[tilespmem:$0x15010] =	vst v0  }
0xeb: {  	v0 =	vld [tilespmem:s0+$0x14960];
	_ =	sdelay $0x3  }
0xec: {  	[tilespmem:$0x15030] =	vst v1  }
0xed: {  	[tilespmem:$0x15020] =	vst v0  }
0xee: {  	v0 =	vld [tilespmem:s0+$0x14980];
	_ =	sdelay $0x4  }
0xef: {  	[tilespmem:$0x15040] =	vst v0  }
0xf0: {  	[spmem:s1] =	stream.indirect.scatter.add.f32 [tilespmem:s18], [sflag:$0x2], $0x80, s22, s15, $0xb8;
	[tilespmem:$0x1C880] =	vst v63  }
0xf1: {  	_ =	swait.ge [sflag:s23], $0x2800  }
0xf2: {  	[sflag:s23] =	ssyncset.done $0x0  }
0xf3: {  	[sflag:s23] =	ssyncadd.s32 $0xFFFFD800  }
0xf4: {  	_ =	swait.ge [sflag:s21], $0x2800  }
0xf5: {  	[sflag:s21] =	ssyncset.done $0x0  }
0xf6: {  	[sflag:s21] =	ssyncadd.s32 $0xFFFFD800  }
0xf7: {  	v61 =	vld [tilespmem:s0+$0x14990];
	_ =	sdelay $0x4  }
0xf8: {  	[tilespmem:$0x15000] =	vst v61  }
0xf9: {  	v0 =	vld [tilespmem:s0+$0x149A0];
	_ =	sdelay $0x4  }
0xfa: {  	[tilespmem:$0x15010] =	vst v0  }
0xfb: {  	v0 =	vld [tilespmem:s0+$0x149B0];
	_ =	sdelay $0x4  }
0xfc: {  	[tilespmem:$0x15020] =	vst v0  }
0xfd: {  	v0 =	vld [tilespmem:s0+$0x149C0];
	_ =	sdelay $0x4  }
0xfe: {  	[tilespmem:$0x15030] =	vst v0  }
0xff: {  	v0 =	vld [tilespmem:s0+$0x149D0];
	_ =	sdelay $0x4  }
0x100: {  	[tilespmem:$0x15040] =	vst v0  }
0x101: {  	[spmem:s1] =	stream.indirect.scatter.add.f32 [tilespmem:s20], [sflag:$0x2], $0x80, s22, s15, $0xb8;
	[tilespmem:$0x1C880] =	vst v63  }
0x102: {  	_ =	swait.ge [sflag:s23], $0x2800  }
0x103: {  	[sflag:s23] =	ssyncset.done $0x0  }
0x104: {  	[sflag:s23] =	ssyncadd.s32 $0xFFFFD800  }
0x105: {  	_ =	swait.ge [sflag:s21], $0x2800  }
0x106: {  	[sflag:s21] =	ssyncset.done $0x0  }
0x107: {  	[sflag:s21] =	ssyncadd.s32 $0xFFFFD800  }
0x108: {  	v62 =	vld [tilespmem:$0x14F80]  }
0x109: {  	v63 =	vld [tilespmem:$0x14F90]  }
0x10a: {  	v2 =	vld [tilespmem:$0x14FA0]  }
0x10b: {  	v3 =	vld [tilespmem:$0x14FB0]  }
0x10c: {  	v4 =	vld [tilespmem:$0x14FC0]  }
0x10d: {  	[tilespmem:$0x15000] =	vst v62  }
0x10e: {  	[tilespmem:$0x15010] =	vst v63  }
0x10f: {  	s26 =	sadd.s32 $0x1, s26;
	[tilespmem:$0x15020] =	vst v2  }
0x110: {  	p0 =	sne.s32 s26, $0x5;
	[tilespmem:$0x15030] =	vst v3  }
.Ltmp1:
0x111: {  	[tilespmem:$0x15040] =	vst v4;
	(pc) =	sbr.rel @p0 .LBB2_2-.Ltmp1, $4  }
0x112: {  	[spmem:s1] =	stream.indirect.scatter.add.f32 [tilespmem:s16], [sflag:$0x2], $0x80, s22, s15, $0xb8;
	[tilespmem:$0x1C880] =	vst v63  }
0x113: {  	_ =	swait.ge [sflag:s23], $0x2800  }
0x114: {  	[sflag:s23] =	ssyncset.done $0x0  }
0x115: {  	[sflag:s23] =	ssyncadd.s32 $0xFFFFD800  }
0x116: {  	s3 =	sadd.s32 $0x1, s3  }
0x117: {  	p0 =	sne.s32 s3, s10  }
.Ltmp2:
0x118: {  	[bflag:$0x0] =	sbarrier.arrive $0xFFFF;
	(pc) =	sbr.rel @p0 .LBB2_1-.Ltmp2, $4  }
0x119: {  	[hbm:s9], [sflag:s7] =	dma.local [spmem:s11], $0x2800  }
0x11a: {  	_ =	swait.ge [sflag:s12], $0x2800  }
0x11b: {  	[sflag:s12] =	ssyncset.done $0x0  }
0x11c: {  	[sflag:s12] =	ssyncadd.s32 $0xFFFFD800  }
0x11d: {  	_ =	sfence.sel $0x180000  }
0x11e: {  	[bflag:$0x0] =	sbarrier.arrive $0xFFFF  }
0x11f: {  	_ =	strace $0x9000004A  }
0x120: {  	[bflag:$0x2] =	sbarrier.arrive $0xFFFF  }
0x121: {  	p0 =	sne.s32 s2, $0x0;
	s0 =	rddreg [dreg:$0x3]  }
0x122: {  	s0 =	sadd.s32 @!p0 $0x100000, s0  }
0x123: {  	[sflag:s0] =	ssyncadd.tile.s32 @!p0 $0x1;
	_ =	shalt  }
.Lfunc_end2:
_tile_overlayer_lowered:
.L_overlay_start_2:
0x124: {  	(tag) =	ssettag $0x2  }
0x125: {  	s0 =	rddreg [dreg:$0x0];
	s2 =	stileid.u32  }
0x126: {  	s1 =	rddreg [dreg:$0x1];
	p0 =	sne.s32 s2, $0x0  }
0x127: {  	s3 =	rddreg [dreg:$0x2];
	[bflag:$0x3] =	sbarrier.arrive $0xFFFF;
	s2 =	simm.s32 @!p0 $0x1C03  }
0x128: {  	[timem:s3], [sflag:s2] =	dma.local @!p0 [hbm:s0], s1  }
0x129: {  	s0 =	simm.s32 @!p0 $0x3  }
0x12a: {  	_ =	swait.ge @!p0 [sflag:s0], s1  }
0x12b: {  	s1 =	ssub.s32 @!p0 $0x0, s1;
	[sflag:s0] =	ssyncset.done @!p0 $0x0  }
0x12c: {  	[sflag:s0] =	ssyncadd.s32 @!p0 s1  }
0x12d: {  	[bflag:$0x3] =	sbarrier.arrive $0xFFFF  }
0x12e: {  	_ =	shalt  }

</sc_bundles>
